<compile_context>
chip_gen: v7x
topology: tpu7x:2x2x1
jax: 0.10.2.dev20260603
libtpu: 0.0.44.dev20260713+nightly
codegen_flags: <defaults>
</compile_context>

<pallas_src>
import functools

import jax
import jax.numpy as jnp
from jax import lax
from jax.experimental import pallas as pl
from jax.experimental.pallas import tpu as pltpu
from jax.experimental.pallas import tpu_sc as plsc

_NUM_CORES = 2
_NUM_SUBCORES = 16
_NW = _NUM_CORES * _NUM_SUBCORES
_D = 32
_L = 16
_C = 256


@jax.jit
def _gather_native(table128, idx_t):
    S, B = idx_t.shape
    assert B % _NW == 0
    P = B // _NW
    assert P % _C == 0
    halves = P // _C
    n_chunks = S * halves

    mesh = plsc.VectorSubcoreMesh(
        core_axis_name="c",
        subcore_axis_name="s",
        num_cores=_NUM_CORES,
        num_subcores=_NUM_SUBCORES,
    )

    @functools.partial(
        pl.kernel,
        out_type=jax.ShapeDtypeStruct((S, _D, B), jnp.float32),
        mesh=mesh,
        compiler_params=pltpu.CompilerParams(
            use_tc_tiling_on_sc=True, needs_layout_passes=False
        ),
        scratch_types=[
            pltpu.VMEM((S, P), jnp.int32),
            pltpu.VMEM((_C,), jnp.int32),
            pltpu.VMEM((_C,), jnp.int32),
            pltpu.VMEM((_C,), jnp.int32),
            pltpu.VMEM((_C,), jnp.int32),
            pltpu.VMEM((_C, 128), jnp.float32),
            pltpu.VMEM((_C, 128), jnp.float32),
            pltpu.VMEM((_D, _C), jnp.float32),
            pltpu.SemaphoreType.DMA,
            pltpu.SemaphoreType.DMA,
        ],
    )
    def k(tbl_hbm, idx_hbm, out_hbm, idx_all, idxq0, idxq1, colb0, colb1,
          rows0, rows1, obuf, sem0, sem1):
        wid = lax.axis_index("s") * _NUM_CORES + lax.axis_index("c")
        b0 = wid * P
        lanes = lax.iota(jnp.int32, _L)

        pltpu.sync_copy(idx_hbm.at[:, pl.ds(b0, P)], idx_all)

        def prep(i, idxq, colb):
            s = i // halves
            h = i % halves

            def body(t, c):
                v = idx_all[s, pl.ds(h * _C + t * _L, _L)]
                idxq[pl.ds(t * _L, _L)] = lax.shift_right_logical(v, 2)
                colb[pl.ds(t * _L, _L)] = lax.shift_left(v & 3, 5)
                return c

            lax.fori_loop(0, _C // _L, body, 0)

        def fire(idxq, rows, sem):
            pltpu.async_copy(tbl_hbm.at[idxq], rows, sem)

        def drain(idxq, rows, sem):
            pltpu.make_async_copy(tbl_hbm.at[idxq], rows, sem).wait()

        def consume(i, colb, rows):
            s = i // halves
            h = i % halves

            def body(t, c):
                rows16 = t * _L + lanes
                colb16 = colb[pl.ds(t * _L, _L)]
                for d in range(_D):
                    vals = plsc.load_gather(rows, [rows16, colb16 + d])
                    obuf[d, pl.ds(t * _L, _L)] = vals
                return c

            lax.fori_loop(0, _C // _L, body, 0)
            pltpu.sync_copy(
                obuf, out_hbm.at[s, :, pl.ds(b0 + h * _C, _C)]
            )

        prep(0, idxq0, colb0)
        fire(idxq0, rows0, sem0)

        def outer(g, carry):
            i0 = 2 * g

            @pl.when(i0 + 1 < n_chunks)
            def _():
                prep(i0 + 1, idxq1, colb1)
                fire(idxq1, rows1, sem1)

            drain(idxq0, rows0, sem0)
            consume(i0, colb0, rows0)

            @pl.when(i0 + 2 < n_chunks)
            def _():
                prep(i0 + 2, idxq0, colb0)
                fire(idxq0, rows0, sem0)

            @pl.when(i0 + 1 < n_chunks)
            def _():
                drain(idxq1, rows1, sem1)
                consume(i0 + 1, colb1, rows1)

            return carry

        lax.fori_loop(0, (n_chunks + 1) // 2, outer, 0)

    return k(table128, idx_t)


def kernel(indices, embedding_matrix):
    B0, S = indices.shape
    tbl128 = embedding_matrix.reshape(-1, 128)
    idx_t = indices.T
    out = _gather_native(tbl128, idx_t)
    return jnp.transpose(out, (2, 0, 1))

# --- scband reference (transcript-rebuilt; emitter-appended) ---
"""Pipeline reference for scband-embedding-32847909880117 (READ-ONLY COPY).

The authoritative reference and input builder live on the scoring server;
editing this copy changes nothing except your own understanding.
"""

import jax, jax.numpy as jnp
import numpy as np

NUM_EMBEDDINGS = 1000000
EMBEDDING_DIM = 32

def setup_inputs(seed: int = 0) -> dict:
    key = jax.random.key(seed)
    k_idx, k_tbl = jax.random.split(key)
    indices = jax.random.randint(k_idx, (16384, 50), 0, NUM_EMBEDDINGS, dtype=jnp.int64 if jax.config.jax_enable_x64 else jnp.int32)
    std = 1.0
    tbl = jax.random.truncated_normal(k_tbl, -3.0, 3.0, (NUM_EMBEDDINGS, EMBEDDING_DIM), dtype=jnp.float32) * std
    return {"indices": indices, "embedding_matrix": tbl}

def reference(indices, embedding_matrix):
    # Faithful translation of: return self.embedding_matrix[indices]
    return jnp.take(embedding_matrix, indices, axis=0)

if __name__ == "__main__":
    import jax
    _d = setup_inputs()
    print(jax.jit(kernel)(*tuple(_d.values())))

</pallas_src>

<mosaic_0001>
#map = affine_map<(d0, d1) -> (0, 0)>
#map1 = affine_map<(d0, d1) -> (0, 0, 0)>
module attributes {stable_mosaic.version = 14 : i64} {
  func.func @k(%arg0: i32, %arg1: i32, %arg2: memref<250000x128xf32, #tpu.memory_space<hbm>>, %arg3: memref<50x16384xi32, #tpu.memory_space<hbm>>, %arg4: memref<50x32x16384xf32, #tpu.memory_space<hbm>>, %arg5: memref<50x512xi32, #tpu.memory_space<vmem>>, %arg6: memref<256xi32, #tpu.memory_space<vmem>>, %arg7: memref<256xi32, #tpu.memory_space<vmem>>, %arg8: memref<256xi32, #tpu.memory_space<vmem>>, %arg9: memref<256xi32, #tpu.memory_space<vmem>>, %arg10: memref<256x128xf32, #tpu.memory_space<vmem>>, %arg11: memref<256x128xf32, #tpu.memory_space<vmem>>, %arg12: memref<32x256xf32, #tpu.memory_space<vmem>>, %arg13: memref<!tpu.dma_semaphore, #tpu.memory_space<semaphore_mem>>, %arg14: memref<!tpu.dma_semaphore, #tpu.memory_space<semaphore_mem>>) attributes {dimension_semantics = [#tpu.dimension_semantics<core_parallel>, #tpu.dimension_semantics<subcore_parallel>], iteration_bounds = array<i64: 2, 16>, scalar_prefetch = 0 : i64, scratch_operands = 10 : i64, tpu.core_type = #tpu.core_type<sc_vector_subcore>, window_params = [{transform_indices = #map}, {transform_indices = #map}, {transform_indices = #map1}]} {
    %mul3A = arith.constant 2 : i32
    %mul3A_0 = arith.muli %arg1, %mul3A : i32
    %add3A = arith.addi %mul3A_0, %arg0 : i32
    %mul3A_1 = arith.constant 512 : i32
    %mul3A_2 = arith.muli %add3A, %mul3A_1 : i32
    %iota3A = tpu.iota {dimensions = array<i32: 0>} : vector<16xi32>
    "tpu.region"() ({
      %run_scoped3A = tpu.sem_alloc : memref<!tpu.dma_semaphore, #tpu.memory_space<semaphore_mem>>
      %dma_start3A_16 = arith.constant 0 : i32
      %dma_start3A_17 = tpu.memref_slice %arg3[%dma_start3A_16, %mul3A_2] : memref<50x16384xi32, #tpu.memory_space<hbm>> -> memref<50x512xi32, #tpu.memory_space<hbm>>
      %dma_start3A_18 = arith.constant 0 : i32
      %dma_start3A_19 = tpu.memref_slice %arg3[%dma_start3A_18, %mul3A_2] : memref<50x16384xi32, #tpu.memory_space<hbm>> -> memref<50x512xi32, #tpu.memory_space<hbm>>
      tpu.enqueue_dma source(%dma_start3A_19 : memref<50x512xi32, #tpu.memory_space<hbm>>) target(%arg5 : memref<50x512xi32, #tpu.memory_space<vmem>>) target_semaphore(%run_scoped3A : memref<!tpu.dma_semaphore, #tpu.memory_space<semaphore_mem>>)
      %dma_wait3A = arith.constant 0 : i32
      %dma_wait3A_20 = tpu.memref_slice %arg3[%dma_wait3A, %mul3A_2] : memref<50x16384xi32, #tpu.memory_space<hbm>> -> memref<50x512xi32, #tpu.memory_space<hbm>>
      %dma_wait3A_21 = arith.constant 0 : i32
      %dma_wait3A_22 = tpu.memref_slice %arg3[%dma_wait3A_21, %mul3A_2] : memref<50x16384xi32, #tpu.memory_space<hbm>> -> memref<50x512xi32, #tpu.memory_space<hbm>>
      tpu.wait_dma2 semaphore(%run_scoped3A : memref<!tpu.dma_semaphore, #tpu.memory_space<semaphore_mem>>) src(%dma_wait3A_22 : memref<50x512xi32, #tpu.memory_space<hbm>>) dst(%arg5 : memref<50x512xi32, #tpu.memory_space<vmem>>)
      tpu.yield
    }) : () -> ()
    %scan3A = arith.constant 0 : i32
    %scan3A_3 = arith.constant 0 : i32
    %scan3A_4 = arith.constant 16 : i32
    %scan3A_5 = arith.addi %scan3A_3, %scan3A_4 : i32
    %scan3A_6 = arith.constant 1 : i32
    scf.for %scan3A_16 = %scan3A_3 to %scan3A_5 step %scan3A_6  : i32 {
      %mul3A_17 = arith.constant 16 : i32
      %mul3A_18 = arith.muli %scan3A_16, %mul3A_17 : i32
      %add3A_19 = arith.constant 0 : i32
      %add3A_20 = arith.addi %add3A_19, %mul3A_18 : i32
      %get3A = arith.constant 0 : i32
      %get3A_21 = arith.index_cast %get3A : i32 to index
      %get3A_22 = arith.index_cast %add3A_20 : i32 to index
      %get3A_23 = tpu.vector_load %arg5[%get3A_21, %get3A_22] {strides = array<i32>} : memref<50x512xi32, #tpu.memory_space<vmem>>, vector<16xi32>,
      %shift_right_logical3A = arith.constant 2 : i32
      %shift_right_logical3A_24 = vector.broadcast %shift_right_logical3A : i32 to vector<16xi32>
      %shift_right_logical3A_25 = arith.shrui %get3A_23, %shift_right_logical3A_24 : vector<16xi32>
      %mul3A_26 = arith.constant 16 : i32
      %mul3A_27 = arith.muli %scan3A_16, %mul3A_26 : i32
      %swap3A = arith.index_cast %mul3A_27 : i32 to index
      %swap3A_28 = tpu.vector_load %arg6[%swap3A] {strides = array<i32>} : memref<256xi32, #tpu.memory_space<vmem>>, vector<16xi32>,
      tpu.vector_store %arg6[%swap3A], %shift_right_logical3A_25 {strides = array<i32>} : memref<256xi32, #tpu.memory_space<vmem>>, vector<16xi32>,
      %and3A = arith.constant 3 : i32
      %and3A_29 = vector.broadcast %and3A : i32 to vector<16xi32>
      %and3A_30 = arith.andi %get3A_23, %and3A_29 : vector<16xi32>
      %shift_left3A = arith.constant 5 : i32
      %shift_left3A_31 = vector.broadcast %shift_left3A : i32 to vector<16xi32>
      %shift_left3A_32 = arith.shli %and3A_30, %shift_left3A_31 : vector<16xi32>
      %mul3A_33 = arith.constant 16 : i32
      %mul3A_34 = arith.muli %scan3A_16, %mul3A_33 : i32
      %swap3A_35 = arith.index_cast %mul3A_34 : i32 to index
      %swap3A_36 = tpu.vector_load %arg8[%swap3A_35] {strides = array<i32>} : memref<256xi32, #tpu.memory_space<vmem>>, vector<16xi32>,
      tpu.vector_store %arg8[%swap3A_35], %shift_left3A_32 {strides = array<i32>} : memref<256xi32, #tpu.memory_space<vmem>>, vector<16xi32>,
    }
    %scan3A_7 = arith.constant 16 : i32
    %dma_start3A = arith.constant 0 : i32
    %dma_start3A_8 = arith.constant 0 : i32
    %dma_start3A_9 = tpu.memref_slice %arg2[%dma_start3A, %dma_start3A_8] : memref<250000x128xf32, #tpu.memory_space<hbm>> -> memref<250000x128xf32, #tpu.memory_space<hbm>>
    tpu.enqueue_indirect_dma source(%dma_start3A_9 : memref<250000x128xf32, #tpu.memory_space<hbm>>) target(%arg10 : memref<256x128xf32, #tpu.memory_space<vmem>>) offsets(%arg6 : memref<256xi32, #tpu.memory_space<vmem>>) semaphore(%arg13 : memref<!tpu.dma_semaphore, #tpu.memory_space<semaphore_mem>>)
    %scan3A_10 = arith.constant 0 : i32
    %scan3A_11 = arith.constant 0 : i32
    %scan3A_12 = arith.constant 50 : i32
    %scan3A_13 = arith.addi %scan3A_11, %scan3A_12 : i32
    %scan3A_14 = arith.constant 1 : i32
    scf.for %scan3A_16 = %scan3A_11 to %scan3A_13 step %scan3A_14  : i32 {
      %mul3A_17 = arith.constant 2 : i32
      %mul3A_18 = arith.muli %mul3A_17, %scan3A_16 : i32
      %add3A_19 = arith.constant 1 : i32
      %add3A_20 = arith.addi %mul3A_18, %add3A_19 : i32
      %lt3A = arith.constant 100 : i32
      %lt3A_21 = arith.cmpi slt, %add3A_20, %lt3A : i32
      %convert_element_type3A = arith.extui %lt3A_21 : i1 to i32
      %cond3A = arith.constant 0 : i32
      %cond3A_22 = arith.cmpi ne, %convert_element_type3A, %cond3A : i32
      scf.if %cond3A_22 {
        %add3A_79 = arith.constant 1 : i32
        %add3A_80 = arith.addi %mul3A_18, %add3A_79 : i32
        %jit3A_81 = arith.constant 2 : i32
        %div3A_82 = arith.divsi %add3A_80, %jit3A_81 : i32
        %sign3A_83 = arith.constant 0 : i32
        %sign3A_84 = arith.cmpi sgt, %add3A_80, %sign3A_83 : i32
        %sign3A_85 = arith.extui %sign3A_84 : i1 to i32
        %sign3A_86 = arith.constant 0 : i32
        %sign3A_87 = arith.cmpi slt, %add3A_80, %sign3A_86 : i32
        %sign3A_88 = arith.extui %sign3A_87 : i1 to i32
        %sign3A_89 = arith.subi %sign3A_85, %sign3A_88 : i32
        %sign3A_90 = arith.constant 0 : i32
        %sign3A_91 = arith.cmpi sgt, %jit3A_81, %sign3A_90 : i32
        %sign3A_92 = arith.extui %sign3A_91 : i1 to i32
        %sign3A_93 = arith.constant 0 : i32
        %sign3A_94 = arith.cmpi slt, %jit3A_81, %sign3A_93 : i32
        %sign3A_95 = arith.extui %sign3A_94 : i1 to i32
        %sign3A_96 = arith.subi %sign3A_92, %sign3A_95 : i32
        %ne3A_97 = arith.cmpi ne, %sign3A_89, %sign3A_96 : i32
        %rem3A_98 = arith.remsi %add3A_80, %jit3A_81 : i32
        %ne3A_99 = arith.constant 0 : i32
        %ne3A_100 = arith.cmpi ne, %rem3A_98, %ne3A_99 : i32
        %and3A_101 = arith.andi %ne3A_97, %ne3A_100 : i1
        %sub3A_102 = arith.constant 1 : i32
        %sub3A_103 = arith.subi %div3A_82, %sub3A_102 : i32
        %select_n3A_104 = arith.select %and3A_101, %sub3A_103, %div3A_82 : i32
        %jit3A_105 = arith.constant 2 : i32
        %eq3A_106 = arith.constant 0 : i32
        %eq3A_107 = arith.cmpi eq, %jit3A_105, %eq3A_106 : i32
        %jit3A_108 = arith.constant 1 : i32
        %select_n3A_109 = arith.select %eq3A_107, %jit3A_108, %jit3A_105 : i32
        %rem3A_110 = arith.remsi %add3A_80, %select_n3A_109 : i32
        %ne3A_111 = arith.constant 0 : i32
        %ne3A_112 = arith.cmpi ne, %rem3A_110, %ne3A_111 : i32
        %lt3A_113 = arith.constant 0 : i32
        %lt3A_114 = arith.cmpi slt, %rem3A_110, %lt3A_113 : i32
        %lt3A_115 = arith.constant 0 : i32
        %lt3A_116 = arith.cmpi slt, %select_n3A_109, %lt3A_115 : i32
        %ne3A_117 = arith.xori %lt3A_114, %lt3A_116 : i1
        %and3A_118 = arith.andi %ne3A_117, %ne3A_112 : i1
        %add3A_119 = arith.addi %rem3A_110, %select_n3A_109 : i32
        %select_n3A_120 = arith.select %and3A_118, %add3A_119, %rem3A_110 : i32
        %scan3A_121 = arith.constant 0 : i32
        %scan3A_122 = arith.constant 0 : i32
        %scan3A_123 = arith.constant 16 : i32
        %scan3A_124 = arith.addi %scan3A_122, %scan3A_123 : i32
        %scan3A_125 = arith.constant 1 : i32
        scf.for %scan3A_130 = %scan3A_122 to %scan3A_124 step %scan3A_125  : i32 {
          %mul3A_131 = arith.constant 256 : i32
          %mul3A_132 = arith.muli %select_n3A_120, %mul3A_131 : i32
          %mul3A_133 = arith.constant 16 : i32
          %mul3A_134 = arith.muli %scan3A_130, %mul3A_133 : i32
          %add3A_135 = arith.addi %mul3A_132, %mul3A_134 : i32
          %get3A = arith.index_cast %select_n3A_104 : i32 to index
          %get3A_136 = arith.index_cast %add3A_135 : i32 to index
          %get3A_137 = tpu.vector_load %arg5[%get3A, %get3A_136] {strides = array<i32>} : memref<50x512xi32, #tpu.memory_space<vmem>>, vector<16xi32>,
          %shift_right_logical3A = arith.constant 2 : i32
          %shift_right_logical3A_138 = vector.broadcast %shift_right_logical3A : i32 to vector<16xi32>
          %shift_right_logical3A_139 = arith.shrui %get3A_137, %shift_right_logical3A_138 : vector<16xi32>
          %mul3A_140 = arith.constant 16 : i32
          %mul3A_141 = arith.muli %scan3A_130, %mul3A_140 : i32
          %swap3A = arith.index_cast %mul3A_141 : i32 to index
          %swap3A_142 = tpu.vector_load %arg7[%swap3A] {strides = array<i32>} : memref<256xi32, #tpu.memory_space<vmem>>, vector<16xi32>,
          tpu.vector_store %arg7[%swap3A], %shift_right_logical3A_139 {strides = array<i32>} : memref<256xi32, #tpu.memory_space<vmem>>, vector<16xi32>,
          %and3A_143 = arith.constant 3 : i32
          %and3A_144 = vector.broadcast %and3A_143 : i32 to vector<16xi32>
          %and3A_145 = arith.andi %get3A_137, %and3A_144 : vector<16xi32>
          %shift_left3A = arith.constant 5 : i32
          %shift_left3A_146 = vector.broadcast %shift_left3A : i32 to vector<16xi32>
          %shift_left3A_147 = arith.shli %and3A_145, %shift_left3A_146 : vector<16xi32>
          %mul3A_148 = arith.constant 16 : i32
          %mul3A_149 = arith.muli %scan3A_130, %mul3A_148 : i32
          %swap3A_150 = arith.index_cast %mul3A_149 : i32 to index
          %swap3A_151 = tpu.vector_load %arg9[%swap3A_150] {strides = array<i32>} : memref<256xi32, #tpu.memory_space<vmem>>, vector<16xi32>,
          tpu.vector_store %arg9[%swap3A_150], %shift_left3A_147 {strides = array<i32>} : memref<256xi32, #tpu.memory_space<vmem>>, vector<16xi32>,
        }
        %scan3A_126 = arith.constant 16 : i32
        %dma_start3A_127 = arith.constant 0 : i32
        %dma_start3A_128 = arith.constant 0 : i32
        %dma_start3A_129 = tpu.memref_slice %arg2[%dma_start3A_127, %dma_start3A_128] : memref<250000x128xf32, #tpu.memory_space<hbm>> -> memref<250000x128xf32, #tpu.memory_space<hbm>>
        tpu.enqueue_indirect_dma source(%dma_start3A_129 : memref<250000x128xf32, #tpu.memory_space<hbm>>) target(%arg11 : memref<256x128xf32, #tpu.memory_space<vmem>>) offsets(%arg7 : memref<256xi32, #tpu.memory_space<vmem>>) semaphore(%arg14 : memref<!tpu.dma_semaphore, #tpu.memory_space<semaphore_mem>>)
      } else {
      }
      %dma_wait3A = arith.constant 0 : i32
      %dma_wait3A_23 = arith.constant 0 : i32
      %dma_wait3A_24 = tpu.memref_slice %arg2[%dma_wait3A, %dma_wait3A_23] : memref<250000x128xf32, #tpu.memory_space<hbm>> -> memref<250000x128xf32, #tpu.memory_space<hbm>>
      tpu.wait_indirect_dma semaphore(%arg13 : memref<!tpu.dma_semaphore, #tpu.memory_space<semaphore_mem>>) src(%dma_wait3A_24 : memref<250000x128xf32, #tpu.memory_space<hbm>>) dst(%arg10 : memref<256x128xf32, #tpu.memory_space<vmem>>)
      %jit3A = arith.constant 2 : i32
      %div3A = arith.divsi %mul3A_18, %jit3A : i32
      %sign3A = arith.constant 0 : i32
      %sign3A_25 = arith.cmpi sgt, %mul3A_18, %sign3A : i32
      %sign3A_26 = arith.extui %sign3A_25 : i1 to i32
      %sign3A_27 = arith.constant 0 : i32
      %sign3A_28 = arith.cmpi slt, %mul3A_18, %sign3A_27 : i32
      %sign3A_29 = arith.extui %sign3A_28 : i1 to i32
      %sign3A_30 = arith.subi %sign3A_26, %sign3A_29 : i32
      %sign3A_31 = arith.constant 0 : i32
      %sign3A_32 = arith.cmpi sgt, %jit3A, %sign3A_31 : i32
      %sign3A_33 = arith.extui %sign3A_32 : i1 to i32
      %sign3A_34 = arith.constant 0 : i32
      %sign3A_35 = arith.cmpi slt, %jit3A, %sign3A_34 : i32
      %sign3A_36 = arith.extui %sign3A_35 : i1 to i32
      %sign3A_37 = arith.subi %sign3A_33, %sign3A_36 : i32
      %ne3A = arith.cmpi ne, %sign3A_30, %sign3A_37 : i32
      %rem3A = arith.remsi %mul3A_18, %jit3A : i32
      %ne3A_38 = arith.constant 0 : i32
      %ne3A_39 = arith.cmpi ne, %rem3A, %ne3A_38 : i32
      %and3A = arith.andi %ne3A, %ne3A_39 : i1
      %sub3A = arith.constant 1 : i32
      %sub3A_40 = arith.subi %div3A, %sub3A : i32
      %select_n3A = arith.select %and3A, %sub3A_40, %div3A : i32
      %jit3A_41 = arith.constant 2 : i32
      %eq3A = arith.constant 0 : i32
      %eq3A_42 = arith.cmpi eq, %jit3A_41, %eq3A : i32
      %jit3A_43 = arith.constant 1 : i32
      %select_n3A_44 = arith.select %eq3A_42, %jit3A_43, %jit3A_41 : i32
      %rem3A_45 = arith.remsi %mul3A_18, %select_n3A_44 : i32
      %ne3A_46 = arith.constant 0 : i32
      %ne3A_47 = arith.cmpi ne, %rem3A_45, %ne3A_46 : i32
      %lt3A_48 = arith.constant 0 : i32
      %lt3A_49 = arith.cmpi slt, %rem3A_45, %lt3A_48 : i32
      %lt3A_50 = arith.constant 0 : i32
      %lt3A_51 = arith.cmpi slt, %select_n3A_44, %lt3A_50 : i32
      %ne3A_52 = arith.xori %lt3A_49, %lt3A_51 : i1
      %and3A_53 = arith.andi %ne3A_52, %ne3A_47 : i1
      %add3A_54 = arith.addi %rem3A_45, %select_n3A_44 : i32
      %select_n3A_55 = arith.select %and3A_53, %add3A_54, %rem3A_45 : i32
      %scan3A_56 = arith.constant 0 : i32
      %scan3A_57 = arith.constant 0 : i32
      %scan3A_58 = arith.constant 16 : i32
      %scan3A_59 = arith.addi %scan3A_57, %scan3A_58 : i32
      %scan3A_60 = arith.constant 1 : i32
      scf.for %scan3A_79 = %scan3A_57 to %scan3A_59 step %scan3A_60  : i32 {
        %mul3A_80 = arith.constant 16 : i32
        %mul3A_81 = arith.muli %scan3A_79, %mul3A_80 : i32
        %add3A_82 = vector.broadcast %mul3A_81 : i32 to vector<16xi32>
        %add3A_83 = arith.addi %add3A_82, %iota3A : vector<16xi32>
        %mul3A_84 = arith.constant 16 : i32
        %mul3A_85 = arith.muli %scan3A_79, %mul3A_84 : i32
        %get3A = arith.index_cast %mul3A_85 : i32 to index
        %get3A_86 = tpu.vector_load %arg8[%get3A] {strides = array<i32>} : memref<256xi32, #tpu.memory_space<vmem>>, vector<16xi32>,
        %add3A_87 = arith.constant 0 : i32
        %add3A_88 = vector.broadcast %add3A_87 : i32 to vector<16xi32>
        %add3A_89 = arith.addi %get3A_86, %add3A_88 : vector<16xi32>
        %gather3A = tpu.vector_load_idx %arg10[%add3A_83, %add3A_89] : memref<256x128xf32, #tpu.memory_space<vmem>>[vector<16xi32>, vector<16xi32>], vector<16xf32>,
        %mul3A_90 = arith.constant 16 : i32
        %mul3A_91 = arith.muli %scan3A_79, %mul3A_90 : i32
        %swap3A = arith.constant 0 : i32
        %swap3A_92 = arith.index_cast %swap3A : i32 to index
        %swap3A_93 = arith.index_cast %mul3A_91 : i32 to index
        %swap3A_94 = tpu.vector_load %arg12[%swap3A_92, %swap3A_93] {strides = array<i32>} : memref<32x256xf32, #tpu.memory_space<vmem>>, vector<16xf32>,
        tpu.vector_store %arg12[%swap3A_92, %swap3A_93], %gather3A {strides = array<i32>} : memref<32x256xf32, #tpu.memory_space<vmem>>, vector<16xf32>,
        %add3A_95 = arith.constant 1 : i32
        %add3A_96 = vector.broadcast %add3A_95 : i32 to vector<16xi32>
        %add3A_97 = arith.addi %get3A_86, %add3A_96 : vector<16xi32>
        %gather3A_98 = tpu.vector_load_idx %arg10[%add3A_83, %add3A_97] : memref<256x128xf32, #tpu.memory_space<vmem>>[vector<16xi32>, vector<16xi32>], vector<16xf32>,
        %mul3A_99 = arith.constant 16 : i32
        %mul3A_100 = arith.muli %scan3A_79, %mul3A_99 : i32
        %swap3A_101 = arith.constant 1 : i32
        %swap3A_102 = arith.index_cast %swap3A_101 : i32 to index
        %swap3A_103 = arith.index_cast %mul3A_100 : i32 to index
        %swap3A_104 = tpu.vector_load %arg12[%swap3A_102, %swap3A_103] {strides = array<i32>} : memref<32x256xf32, #tpu.memory_space<vmem>>, vector<16xf32>,
        tpu.vector_store %arg12[%swap3A_102, %swap3A_103], %gather3A_98 {strides = array<i32>} : memref<32x256xf32, #tpu.memory_space<vmem>>, vector<16xf32>,
        %add3A_105 = arith.constant 2 : i32
        %add3A_106 = vector.broadcast %add3A_105 : i32 to vector<16xi32>
        %add3A_107 = arith.addi %get3A_86, %add3A_106 : vector<16xi32>
        %gather3A_108 = tpu.vector_load_idx %arg10[%add3A_83, %add3A_107] : memref<256x128xf32, #tpu.memory_space<vmem>>[vector<16xi32>, vector<16xi32>], vector<16xf32>,
        %mul3A_109 = arith.constant 16 : i32
        %mul3A_110 = arith.muli %scan3A_79, %mul3A_109 : i32
        %swap3A_111 = arith.constant 2 : i32
        %swap3A_112 = arith.index_cast %swap3A_111 : i32 to index
        %swap3A_113 = arith.index_cast %mul3A_110 : i32 to index
        %swap3A_114 = tpu.vector_load %arg12[%swap3A_112, %swap3A_113] {strides = array<i32>} : memref<32x256xf32, #tpu.memory_space<vmem>>, vector<16xf32>,
        tpu.vector_store %arg12[%swap3A_112, %swap3A_113], %gather3A_108 {strides = array<i32>} : memref<32x256xf32, #tpu.memory_space<vmem>>, vector<16xf32>,
        %add3A_115 = arith.constant 3 : i32
        %add3A_116 = vector.broadcast %add3A_115 : i32 to vector<16xi32>
        %add3A_117 = arith.addi %get3A_86, %add3A_116 : vector<16xi32>
        %gather3A_118 = tpu.vector_load_idx %arg10[%add3A_83, %add3A_117] : memref<256x128xf32, #tpu.memory_space<vmem>>[vector<16xi32>, vector<16xi32>], vector<16xf32>,
        %mul3A_119 = arith.constant 16 : i32
        %mul3A_120 = arith.muli %scan3A_79, %mul3A_119 : i32
        %swap3A_121 = arith.constant 3 : i32
        %swap3A_122 = arith.index_cast %swap3A_121 : i32 to index
        %swap3A_123 = arith.index_cast %mul3A_120 : i32 to index
        %swap3A_124 = tpu.vector_load %arg12[%swap3A_122, %swap3A_123] {strides = array<i32>} : memref<32x256xf32, #tpu.memory_space<vmem>>, vector<16xf32>,
        tpu.vector_store %arg12[%swap3A_122, %swap3A_123], %gather3A_118 {strides = array<i32>} : memref<32x256xf32, #tpu.memory_space<vmem>>, vector<16xf32>,
        %add3A_125 = arith.constant 4 : i32
        %add3A_126 = vector.broadcast %add3A_125 : i32 to vector<16xi32>
        %add3A_127 = arith.addi %get3A_86, %add3A_126 : vector<16xi32>
        %gather3A_128 = tpu.vector_load_idx %arg10[%add3A_83, %add3A_127] : memref<256x128xf32, #tpu.memory_space<vmem>>[vector<16xi32>, vector<16xi32>], vector<16xf32>,
        %mul3A_129 = arith.constant 16 : i32
        %mul3A_130 = arith.muli %scan3A_79, %mul3A_129 : i32
        %swap3A_131 = arith.constant 4 : i32
        %swap3A_132 = arith.index_cast %swap3A_131 : i32 to index
        %swap3A_133 = arith.index_cast %mul3A_130 : i32 to index
        %swap3A_134 = tpu.vector_load %arg12[%swap3A_132, %swap3A_133] {strides = array<i32>} : memref<32x256xf32, #tpu.memory_space<vmem>>, vector<16xf32>,
        tpu.vector_store %arg12[%swap3A_132, %swap3A_133], %gather3A_128 {strides = array<i32>} : memref<32x256xf32, #tpu.memory_space<vmem>>, vector<16xf32>,
        %add3A_135 = arith.constant 5 : i32
        %add3A_136 = vector.broadcast %add3A_135 : i32 to vector<16xi32>
        %add3A_137 = arith.addi %get3A_86, %add3A_136 : vector<16xi32>
        %gather3A_138 = tpu.vector_load_idx %arg10[%add3A_83, %add3A_137] : memref<256x128xf32, #tpu.memory_space<vmem>>[vector<16xi32>, vector<16xi32>], vector<16xf32>,
        %mul3A_139 = arith.constant 16 : i32
        %mul3A_140 = arith.muli %scan3A_79, %mul3A_139 : i32
        %swap3A_141 = arith.constant 5 : i32
        %swap3A_142 = arith.index_cast %swap3A_141 : i32 to index
        %swap3A_143 = arith.index_cast %mul3A_140 : i32 to index
        %swap3A_144 = tpu.vector_load %arg12[%swap3A_142, %swap3A_143] {strides = array<i32>} : memref<32x256xf32, #tpu.memory_space<vmem>>, vector<16xf32>,
        tpu.vector_store %arg12[%swap3A_142, %swap3A_143], %gather3A_138 {strides = array<i32>} : memref<32x256xf32, #tpu.memory_space<vmem>>, vector<16xf32>,
        %add3A_145 = arith.constant 6 : i32
        %add3A_146 = vector.broadcast %add3A_145 : i32 to vector<16xi32>
        %add3A_147 = arith.addi %get3A_86, %add3A_146 : vector<16xi32>
        %gather3A_148 = tpu.vector_load_idx %arg10[%add3A_83, %add3A_147] : memref<256x128xf32, #tpu.memory_space<vmem>>[vector<16xi32>, vector<16xi32>], vector<16xf32>,
        %mul3A_149 = arith.constant 16 : i32
        %mul3A_150 = arith.muli %scan3A_79, %mul3A_149 : i32
        %swap3A_151 = arith.constant 6 : i32
        %swap3A_152 = arith.index_cast %swap3A_151 : i32 to index
        %swap3A_153 = arith.index_cast %mul3A_150 : i32 to index
        %swap3A_154 = tpu.vector_load %arg12[%swap3A_152, %swap3A_153] {strides = array<i32>} : memref<32x256xf32, #tpu.memory_space<vmem>>, vector<16xf32>,
        tpu.vector_store %arg12[%swap3A_152, %swap3A_153], %gather3A_148 {strides = array<i32>} : memref<32x256xf32, #tpu.memory_space<vmem>>, vector<16xf32>,
        %add3A_155 = arith.constant 7 : i32
        %add3A_156 = vector.broadcast %add3A_155 : i32 to vector<16xi32>
        %add3A_157 = arith.addi %get3A_86, %add3A_156 : vector<16xi32>
        %gather3A_158 = tpu.vector_load_idx %arg10[%add3A_83, %add3A_157] : memref<256x128xf32, #tpu.memory_space<vmem>>[vector<16xi32>, vector<16xi32>], vector<16xf32>,
        %mul3A_159 = arith.constant 16 : i32
        %mul3A_160 = arith.muli %scan3A_79, %mul3A_159 : i32
        %swap3A_161 = arith.constant 7 : i32
        %swap3A_162 = arith.index_cast %swap3A_161 : i32 to index
        %swap3A_163 = arith.index_cast %mul3A_160 : i32 to index
        %swap3A_164 = tpu.vector_load %arg12[%swap3A_162, %swap3A_163] {strides = array<i32>} : memref<32x256xf32, #tpu.memory_space<vmem>>, vector<16xf32>,
        tpu.vector_store %arg12[%swap3A_162, %swap3A_163], %gather3A_158 {strides = array<i32>} : memref<32x256xf32, #tpu.memory_space<vmem>>, vector<16xf32>,
        %add3A_165 = arith.constant 8 : i32
        %add3A_166 = vector.broadcast %add3A_165 : i32 to vector<16xi32>
        %add3A_167 = arith.addi %get3A_86, %add3A_166 : vector<16xi32>
        %gather3A_168 = tpu.vector_load_idx %arg10[%add3A_83, %add3A_167] : memref<256x128xf32, #tpu.memory_space<vmem>>[vector<16xi32>, vector<16xi32>], vector<16xf32>,
        %mul3A_169 = arith.constant 16 : i32
        %mul3A_170 = arith.muli %scan3A_79, %mul3A_169 : i32
        %swap3A_171 = arith.constant 8 : i32
        %swap3A_172 = arith.index_cast %swap3A_171 : i32 to index
        %swap3A_173 = arith.index_cast %mul3A_170 : i32 to index
        %swap3A_174 = tpu.vector_load %arg12[%swap3A_172, %swap3A_173] {strides = array<i32>} : memref<32x256xf32, #tpu.memory_space<vmem>>, vector<16xf32>,
        tpu.vector_store %arg12[%swap3A_172, %swap3A_173], %gather3A_168 {strides = array<i32>} : memref<32x256xf32, #tpu.memory_space<vmem>>, vector<16xf32>,
        %add3A_175 = arith.constant 9 : i32
        %add3A_176 = vector.broadcast %add3A_175 : i32 to vector<16xi32>
        %add3A_177 = arith.addi %get3A_86, %add3A_176 : vector<16xi32>
        %gather3A_178 = tpu.vector_load_idx %arg10[%add3A_83, %add3A_177] : memref<256x128xf32, #tpu.memory_space<vmem>>[vector<16xi32>, vector<16xi32>], vector<16xf32>,
        %mul3A_179 = arith.constant 16 : i32
        %mul3A_180 = arith.muli %scan3A_79, %mul3A_179 : i32
        %swap3A_181 = arith.constant 9 : i32
        %swap3A_182 = arith.index_cast %swap3A_181 : i32 to index
        %swap3A_183 = arith.index_cast %mul3A_180 : i32 to index
        %swap3A_184 = tpu.vector_load %arg12[%swap3A_182, %swap3A_183] {strides = array<i32>} : memref<32x256xf32, #tpu.memory_space<vmem>>, vector<16xf32>,
        tpu.vector_store %arg12[%swap3A_182, %swap3A_183], %gather3A_178 {strides = array<i32>} : memref<32x256xf32, #tpu.memory_space<vmem>>, vector<16xf32>,
        %add3A_185 = arith.constant 10 : i32
        %add3A_186 = vector.broadcast %add3A_185 : i32 to vector<16xi32>
        %add3A_187 = arith.addi %get3A_86, %add3A_186 : vector<16xi32>
        %gather3A_188 = tpu.vector_load_idx %arg10[%add3A_83, %add3A_187] : memref<256x128xf32, #tpu.memory_space<vmem>>[vector<16xi32>, vector<16xi32>], vector<16xf32>,
        %mul3A_189 = arith.constant 16 : i32
        %mul3A_190 = arith.muli %scan3A_79, %mul3A_189 : i32
        %swap3A_191 = arith.constant 10 : i32
        %swap3A_192 = arith.index_cast %swap3A_191 : i32 to index
        %swap3A_193 = arith.index_cast %mul3A_190 : i32 to index
        %swap3A_194 = tpu.vector_load %arg12[%swap3A_192, %swap3A_193] {strides = array<i32>} : memref<32x256xf32, #tpu.memory_space<vmem>>, vector<16xf32>,
        tpu.vector_store %arg12[%swap3A_192, %swap3A_193], %gather3A_188 {strides = array<i32>} : memref<32x256xf32, #tpu.memory_space<vmem>>, vector<16xf32>,
        %add3A_195 = arith.constant 11 : i32
        %add3A_196 = vector.broadcast %add3A_195 : i32 to vector<16xi32>
        %add3A_197 = arith.addi %get3A_86, %add3A_196 : vector<16xi32>
        %gather3A_198 = tpu.vector_load_idx %arg10[%add3A_83, %add3A_197] : memref<256x128xf32, #tpu.memory_space<vmem>>[vector<16xi32>, vector<16xi32>], vector<16xf32>,
        %mul3A_199 = arith.constant 16 : i32
        %mul3A_200 = arith.muli %scan3A_79, %mul3A_199 : i32
        %swap3A_201 = arith.constant 11 : i32
        %swap3A_202 = arith.index_cast %swap3A_201 : i32 to index
        %swap3A_203 = arith.index_cast %mul3A_200 : i32 to index
        %swap3A_204 = tpu.vector_load %arg12[%swap3A_202, %swap3A_203] {strides = array<i32>} : memref<32x256xf32, #tpu.memory_space<vmem>>, vector<16xf32>,
        tpu.vector_store %arg12[%swap3A_202, %swap3A_203], %gather3A_198 {strides = array<i32>} : memref<32x256xf32, #tpu.memory_space<vmem>>, vector<16xf32>,
        %add3A_205 = arith.constant 12 : i32
        %add3A_206 = vector.broadcast %add3A_205 : i32 to vector<16xi32>
        %add3A_207 = arith.addi %get3A_86, %add3A_206 : vector<16xi32>
        %gather3A_208 = tpu.vector_load_idx %arg10[%add3A_83, %add3A_207] : memref<256x128xf32, #tpu.memory_space<vmem>>[vector<16xi32>, vector<16xi32>], vector<16xf32>,
        %mul3A_209 = arith.constant 16 : i32
        %mul3A_210 = arith.muli %scan3A_79, %mul3A_209 : i32
        %swap3A_211 = arith.constant 12 : i32
        %swap3A_212 = arith.index_cast %swap3A_211 : i32 to index
        %swap3A_213 = arith.index_cast %mul3A_210 : i32 to index
        %swap3A_214 = tpu.vector_load %arg12[%swap3A_212, %swap3A_213] {strides = array<i32>} : memref<32x256xf32, #tpu.memory_space<vmem>>, vector<16xf32>,
        tpu.vector_store %arg12[%swap3A_212, %swap3A_213], %gather3A_208 {strides = array<i32>} : memref<32x256xf32, #tpu.memory_space<vmem>>, vector<16xf32>,
        %add3A_215 = arith.constant 13 : i32
        %add3A_216 = vector.broadcast %add3A_215 : i32 to vector<16xi32>
        %add3A_217 = arith.addi %get3A_86, %add3A_216 : vector<16xi32>
        %gather3A_218 = tpu.vector_load_idx %arg10[%add3A_83, %add3A_217] : memref<256x128xf32, #tpu.memory_space<vmem>>[vector<16xi32>, vector<16xi32>], vector<16xf32>,
        %mul3A_219 = arith.constant 16 : i32
        %mul3A_220 = arith.muli %scan3A_79, %mul3A_219 : i32
        %swap3A_221 = arith.constant 13 : i32
        %swap3A_222 = arith.index_cast %swap3A_221 : i32 to index
        %swap3A_223 = arith.index_cast %mul3A_220 : i32 to index
        %swap3A_224 = tpu.vector_load %arg12[%swap3A_222, %swap3A_223] {strides = array<i32>} : memref<32x256xf32, #tpu.memory_space<vmem>>, vector<16xf32>,
        tpu.vector_store %arg12[%swap3A_222, %swap3A_223], %gather3A_218 {strides = array<i32>} : memref<32x256xf32, #tpu.memory_space<vmem>>, vector<16xf32>,
        %add3A_225 = arith.constant 14 : i32
        %add3A_226 = vector.broadcast %add3A_225 : i32 to vector<16xi32>
        %add3A_227 = arith.addi %get3A_86, %add3A_226 : vector<16xi32>
        %gather3A_228 = tpu.vector_load_idx %arg10[%add3A_83, %add3A_227] : memref<256x128xf32, #tpu.memory_space<vmem>>[vector<16xi32>, vector<16xi32>], vector<16xf32>,
        %mul3A_229 = arith.constant 16 : i32
        %mul3A_230 = arith.muli %scan3A_79, %mul3A_229 : i32
        %swap3A_231 = arith.constant 14 : i32
        %swap3A_232 = arith.index_cast %swap3A_231 : i32 to index
        %swap3A_233 = arith.index_cast %mul3A_230 : i32 to index
        %swap3A_234 = tpu.vector_load %arg12[%swap3A_232, %swap3A_233] {strides = array<i32>} : memref<32x256xf32, #tpu.memory_space<vmem>>, vector<16xf32>,
        tpu.vector_store %arg12[%swap3A_232, %swap3A_233], %gather3A_228 {strides = array<i32>} : memref<32x256xf32, #tpu.memory_space<vmem>>, vector<16xf32>,
        %add3A_235 = arith.constant 15 : i32
        %add3A_236 = vector.broadcast %add3A_235 : i32 to vector<16xi32>
        %add3A_237 = arith.addi %get3A_86, %add3A_236 : vector<16xi32>
        %gather3A_238 = tpu.vector_load_idx %arg10[%add3A_83, %add3A_237] : memref<256x128xf32, #tpu.memory_space<vmem>>[vector<16xi32>, vector<16xi32>], vector<16xf32>,
        %mul3A_239 = arith.constant 16 : i32
        %mul3A_240 = arith.muli %scan3A_79, %mul3A_239 : i32
        %swap3A_241 = arith.constant 15 : i32
        %swap3A_242 = arith.index_cast %swap3A_241 : i32 to index
        %swap3A_243 = arith.index_cast %mul3A_240 : i32 to index
        %swap3A_244 = tpu.vector_load %arg12[%swap3A_242, %swap3A_243] {strides = array<i32>} : memref<32x256xf32, #tpu.memory_space<vmem>>, vector<16xf32>,
        tpu.vector_store %arg12[%swap3A_242, %swap3A_243], %gather3A_238 {strides = array<i32>} : memref<32x256xf32, #tpu.memory_space<vmem>>, vector<16xf32>,
        %add3A_245 = arith.constant 16 : i32
        %add3A_246 = vector.broadcast %add3A_245 : i32 to vector<16xi32>
        %add3A_247 = arith.addi %get3A_86, %add3A_246 : vector<16xi32>
        %gather3A_248 = tpu.vector_load_idx %arg10[%add3A_83, %add3A_247] : memref<256x128xf32, #tpu.memory_space<vmem>>[vector<16xi32>, vector<16xi32>], vector<16xf32>,
        %mul3A_249 = arith.constant 16 : i32
        %mul3A_250 = arith.muli %scan3A_79, %mul3A_249 : i32
        %swap3A_251 = arith.constant 16 : i32
        %swap3A_252 = arith.index_cast %swap3A_251 : i32 to index
        %swap3A_253 = arith.index_cast %mul3A_250 : i32 to index
        %swap3A_254 = tpu.vector_load %arg12[%swap3A_252, %swap3A_253] {strides = array<i32>} : memref<32x256xf32, #tpu.memory_space<vmem>>, vector<16xf32>,
        tpu.vector_store %arg12[%swap3A_252, %swap3A_253], %gather3A_248 {strides = array<i32>} : memref<32x256xf32, #tpu.memory_space<vmem>>, vector<16xf32>,
        %add3A_255 = arith.constant 17 : i32
        %add3A_256 = vector.broadcast %add3A_255 : i32 to vector<16xi32>
        %add3A_257 = arith.addi %get3A_86, %add3A_256 : vector<16xi32>
        %gather3A_258 = tpu.vector_load_idx %arg10[%add3A_83, %add3A_257] : memref<256x128xf32, #tpu.memory_space<vmem>>[vector<16xi32>, vector<16xi32>], vector<16xf32>,
        %mul3A_259 = arith.constant 16 : i32
        %mul3A_260 = arith.muli %scan3A_79, %mul3A_259 : i32
        %swap3A_261 = arith.constant 17 : i32
        %swap3A_262 = arith.index_cast %swap3A_261 : i32 to index
        %swap3A_263 = arith.index_cast %mul3A_260 : i32 to index
        %swap3A_264 = tpu.vector_load %arg12[%swap3A_262, %swap3A_263] {strides = array<i32>} : memref<32x256xf32, #tpu.memory_space<vmem>>, vector<16xf32>,
        tpu.vector_store %arg12[%swap3A_262, %swap3A_263], %gather3A_258 {strides = array<i32>} : memref<32x256xf32, #tpu.memory_space<vmem>>, vector<16xf32>,
        %add3A_265 = arith.constant 18 : i32
        %add3A_266 = vector.broadcast %add3A_265 : i32 to vector<16xi32>
        %add3A_267 = arith.addi %get3A_86, %add3A_266 : vector<16xi32>
        %gather3A_268 = tpu.vector_load_idx %arg10[%add3A_83, %add3A_267] : memref<256x128xf32, #tpu.memory_space<vmem>>[vector<16xi32>, vector<16xi32>], vector<16xf32>,
        %mul3A_269 = arith.constant 16 : i32
        %mul3A_270 = arith.muli %scan3A_79, %mul3A_269 : i32
        %swap3A_271 = arith.constant 18 : i32
        %swap3A_272 = arith.index_cast %swap3A_271 : i32 to index
        %swap3A_273 = arith.index_cast %mul3A_270 : i32 to index
        %swap3A_274 = tpu.vector_load %arg12[%swap3A_272, %swap3A_273] {strides = array<i32>} : memref<32x256xf32, #tpu.memory_space<vmem>>, vector<16xf32>,
        tpu.vector_store %arg12[%swap3A_272, %swap3A_273], %gather3A_268 {strides = array<i32>} : memref<32x256xf32, #tpu.memory_space<vmem>>, vector<16xf32>,
        %add3A_275 = arith.constant 19 : i32
        %add3A_276 = vector.broadcast %add3A_275 : i32 to vector<16xi32>
        %add3A_277 = arith.addi %get3A_86, %add3A_276 : vector<16xi32>
        %gather3A_278 = tpu.vector_load_idx %arg10[%add3A_83, %add3A_277] : memref<256x128xf32, #tpu.memory_space<vmem>>[vector<16xi32>, vector<16xi32>], vector<16xf32>,
        %mul3A_279 = arith.constant 16 : i32
        %mul3A_280 = arith.muli %scan3A_79, %mul3A_279 : i32
        %swap3A_281 = arith.constant 19 : i32
        %swap3A_282 = arith.index_cast %swap3A_281 : i32 to index
        %swap3A_283 = arith.index_cast %mul3A_280 : i32 to index
        %swap3A_284 = tpu.vector_load %arg12[%swap3A_282, %swap3A_283] {strides = array<i32>} : memref<32x256xf32, #tpu.memory_space<vmem>>, vector<16xf32>,
        tpu.vector_store %arg12[%swap3A_282, %swap3A_283], %gather3A_278 {strides = array<i32>} : memref<32x256xf32, #tpu.memory_space<vmem>>, vector<16xf32>,
        %add3A_285 = arith.constant 20 : i32
        %add3A_286 = vector.broadcast %add3A_285 : i32 to vector<16xi32>
        %add3A_287 = arith.addi %get3A_86, %add3A_286 : vector<16xi32>
        %gather3A_288 = tpu.vector_load_idx %arg10[%add3A_83, %add3A_287] : memref<256x128xf32, #tpu.memory_space<vmem>>[vector<16xi32>, vector<16xi32>], vector<16xf32>,
        %mul3A_289 = arith.constant 16 : i32
        %mul3A_290 = arith.muli %scan3A_79, %mul3A_289 : i32
        %swap3A_291 = arith.constant 20 : i32
        %swap3A_292 = arith.index_cast %swap3A_291 : i32 to index
        %swap3A_293 = arith.index_cast %mul3A_290 : i32 to index
        %swap3A_294 = tpu.vector_load %arg12[%swap3A_292, %swap3A_293] {strides = array<i32>} : memref<32x256xf32, #tpu.memory_space<vmem>>, vector<16xf32>,
        tpu.vector_store %arg12[%swap3A_292, %swap3A_293], %gather3A_288 {strides = array<i32>} : memref<32x256xf32, #tpu.memory_space<vmem>>, vector<16xf32>,
        %add3A_295 = arith.constant 21 : i32
        %add3A_296 = vector.broadcast %add3A_295 : i32 to vector<16xi32>
        %add3A_297 = arith.addi %get3A_86, %add3A_296 : vector<16xi32>
        %gather3A_298 = tpu.vector_load_idx %arg10[%add3A_83, %add3A_297] : memref<256x128xf32, #tpu.memory_space<vmem>>[vector<16xi32>, vector<16xi32>], vector<16xf32>,
        %mul3A_299 = arith.constant 16 : i32
        %mul3A_300 = arith.muli %scan3A_79, %mul3A_299 : i32
        %swap3A_301 = arith.constant 21 : i32
        %swap3A_302 = arith.index_cast %swap3A_301 : i32 to index
        %swap3A_303 = arith.index_cast %mul3A_300 : i32 to index
        %swap3A_304 = tpu.vector_load %arg12[%swap3A_302, %swap3A_303] {strides = array<i32>} : memref<32x256xf32, #tpu.memory_space<vmem>>, vector<16xf32>,
        tpu.vector_store %arg12[%swap3A_302, %swap3A_303], %gather3A_298 {strides = array<i32>} : memref<32x256xf32, #tpu.memory_space<vmem>>, vector<16xf32>,
        %add3A_305 = arith.constant 22 : i32
        %add3A_306 = vector.broadcast %add3A_305 : i32 to vector<16xi32>
        %add3A_307 = arith.addi %get3A_86, %add3A_306 : vector<16xi32>
        %gather3A_308 = tpu.vector_load_idx %arg10[%add3A_83, %add3A_307] : memref<256x128xf32, #tpu.memory_space<vmem>>[vector<16xi32>, vector<16xi32>], vector<16xf32>,
        %mul3A_309 = arith.constant 16 : i32
        %mul3A_310 = arith.muli %scan3A_79, %mul3A_309 : i32
        %swap3A_311 = arith.constant 22 : i32
        %swap3A_312 = arith.index_cast %swap3A_311 : i32 to index
        %swap3A_313 = arith.index_cast %mul3A_310 : i32 to index
        %swap3A_314 = tpu.vector_load %arg12[%swap3A_312, %swap3A_313] {strides = array<i32>} : memref<32x256xf32, #tpu.memory_space<vmem>>, vector<16xf32>,
        tpu.vector_store %arg12[%swap3A_312, %swap3A_313], %gather3A_308 {strides = array<i32>} : memref<32x256xf32, #tpu.memory_space<vmem>>, vector<16xf32>,
        %add3A_315 = arith.constant 23 : i32
        %add3A_316 = vector.broadcast %add3A_315 : i32 to vector<16xi32>
        %add3A_317 = arith.addi %get3A_86, %add3A_316 : vector<16xi32>
        %gather3A_318 = tpu.vector_load_idx %arg10[%add3A_83, %add3A_317] : memref<256x128xf32, #tpu.memory_space<vmem>>[vector<16xi32>, vector<16xi32>], vector<16xf32>,
        %mul3A_319 = arith.constant 16 : i32
        %mul3A_320 = arith.muli %scan3A_79, %mul3A_319 : i32
        %swap3A_321 = arith.constant 23 : i32
        %swap3A_322 = arith.index_cast %swap3A_321 : i32 to index
        %swap3A_323 = arith.index_cast %mul3A_320 : i32 to index
        %swap3A_324 = tpu.vector_load %arg12[%swap3A_322, %swap3A_323] {strides = array<i32>} : memref<32x256xf32, #tpu.memory_space<vmem>>, vector<16xf32>,
        tpu.vector_store %arg12[%swap3A_322, %swap3A_323], %gather3A_318 {strides = array<i32>} : memref<32x256xf32, #tpu.memory_space<vmem>>, vector<16xf32>,
        %add3A_325 = arith.constant 24 : i32
        %add3A_326 = vector.broadcast %add3A_325 : i32 to vector<16xi32>
        %add3A_327 = arith.addi %get3A_86, %add3A_326 : vector<16xi32>
        %gather3A_328 = tpu.vector_load_idx %arg10[%add3A_83, %add3A_327] : memref<256x128xf32, #tpu.memory_space<vmem>>[vector<16xi32>, vector<16xi32>], vector<16xf32>,
        %mul3A_329 = arith.constant 16 : i32
        %mul3A_330 = arith.muli %scan3A_79, %mul3A_329 : i32
        %swap3A_331 = arith.constant 24 : i32
        %swap3A_332 = arith.index_cast %swap3A_331 : i32 to index
        %swap3A_333 = arith.index_cast %mul3A_330 : i32 to index
        %swap3A_334 = tpu.vector_load %arg12[%swap3A_332, %swap3A_333] {strides = array<i32>} : memref<32x256xf32, #tpu.memory_space<vmem>>, vector<16xf32>,
        tpu.vector_store %arg12[%swap3A_332, %swap3A_333], %gather3A_328 {strides = array<i32>} : memref<32x256xf32, #tpu.memory_space<vmem>>, vector<16xf32>,
        %add3A_335 = arith.constant 25 : i32
        %add3A_336 = vector.broadcast %add3A_335 : i32 to vector<16xi32>
        %add3A_337 = arith.addi %get3A_86, %add3A_336 : vector<16xi32>
        %gather3A_338 = tpu.vector_load_idx %arg10[%add3A_83, %add3A_337] : memref<256x128xf32, #tpu.memory_space<vmem>>[vector<16xi32>, vector<16xi32>], vector<16xf32>,
        %mul3A_339 = arith.constant 16 : i32
        %mul3A_340 = arith.muli %scan3A_79, %mul3A_339 : i32
        %swap3A_341 = arith.constant 25 : i32
        %swap3A_342 = arith.index_cast %swap3A_341 : i32 to index
        %swap3A_343 = arith.index_cast %mul3A_340 : i32 to index
        %swap3A_344 = tpu.vector_load %arg12[%swap3A_342, %swap3A_343] {strides = array<i32>} : memref<32x256xf32, #tpu.memory_space<vmem>>, vector<16xf32>,
        tpu.vector_store %arg12[%swap3A_342, %swap3A_343], %gather3A_338 {strides = array<i32>} : memref<32x256xf32, #tpu.memory_space<vmem>>, vector<16xf32>,
        %add3A_345 = arith.constant 26 : i32
        %add3A_346 = vector.broadcast %add3A_345 : i32 to vector<16xi32>
        %add3A_347 = arith.addi %get3A_86, %add3A_346 : vector<16xi32>
        %gather3A_348 = tpu.vector_load_idx %arg10[%add3A_83, %add3A_347] : memref<256x128xf32, #tpu.memory_space<vmem>>[vector<16xi32>, vector<16xi32>], vector<16xf32>,
        %mul3A_349 = arith.constant 16 : i32
        %mul3A_350 = arith.muli %scan3A_79, %mul3A_349 : i32
        %swap3A_351 = arith.constant 26 : i32
        %swap3A_352 = arith.index_cast %swap3A_351 : i32 to index
        %swap3A_353 = arith.index_cast %mul3A_350 : i32 to index
        %swap3A_354 = tpu.vector_load %arg12[%swap3A_352, %swap3A_353] {strides = array<i32>} : memref<32x256xf32, #tpu.memory_space<vmem>>, vector<16xf32>,
        tpu.vector_store %arg12[%swap3A_352, %swap3A_353], %gather3A_348 {strides = array<i32>} : memref<32x256xf32, #tpu.memory_space<vmem>>, vector<16xf32>,
        %add3A_355 = arith.constant 27 : i32
        %add3A_356 = vector.broadcast %add3A_355 : i32 to vector<16xi32>
        %add3A_357 = arith.addi %get3A_86, %add3A_356 : vector<16xi32>
        %gather3A_358 = tpu.vector_load_idx %arg10[%add3A_83, %add3A_357] : memref<256x128xf32, #tpu.memory_space<vmem>>[vector<16xi32>, vector<16xi32>], vector<16xf32>,
        %mul3A_359 = arith.constant 16 : i32
        %mul3A_360 = arith.muli %scan3A_79, %mul3A_359 : i32
        %swap3A_361 = arith.constant 27 : i32
        %swap3A_362 = arith.index_cast %swap3A_361 : i32 to index
        %swap3A_363 = arith.index_cast %mul3A_360 : i32 to index
        %swap3A_364 = tpu.vector_load %arg12[%swap3A_362, %swap3A_363] {strides = array<i32>} : memref<32x256xf32, #tpu.memory_space<vmem>>, vector<16xf32>,
        tpu.vector_store %arg12[%swap3A_362, %swap3A_363], %gather3A_358 {strides = array<i32>} : memref<32x256xf32, #tpu.memory_space<vmem>>, vector<16xf32>,
        %add3A_365 = arith.constant 28 : i32
        %add3A_366 = vector.broadcast %add3A_365 : i32 to vector<16xi32>
        %add3A_367 = arith.addi %get3A_86, %add3A_366 : vector<16xi32>
        %gather3A_368 = tpu.vector_load_idx %arg10[%add3A_83, %add3A_367] : memref<256x128xf32, #tpu.memory_space<vmem>>[vector<16xi32>, vector<16xi32>], vector<16xf32>,
        %mul3A_369 = arith.constant 16 : i32
        %mul3A_370 = arith.muli %scan3A_79, %mul3A_369 : i32
        %swap3A_371 = arith.constant 28 : i32
        %swap3A_372 = arith.index_cast %swap3A_371 : i32 to index
        %swap3A_373 = arith.index_cast %mul3A_370 : i32 to index
        %swap3A_374 = tpu.vector_load %arg12[%swap3A_372, %swap3A_373] {strides = array<i32>} : memref<32x256xf32, #tpu.memory_space<vmem>>, vector<16xf32>,
        tpu.vector_store %arg12[%swap3A_372, %swap3A_373], %gather3A_368 {strides = array<i32>} : memref<32x256xf32, #tpu.memory_space<vmem>>, vector<16xf32>,
        %add3A_375 = arith.constant 29 : i32
        %add3A_376 = vector.broadcast %add3A_375 : i32 to vector<16xi32>
        %add3A_377 = arith.addi %get3A_86, %add3A_376 : vector<16xi32>
        %gather3A_378 = tpu.vector_load_idx %arg10[%add3A_83, %add3A_377] : memref<256x128xf32, #tpu.memory_space<vmem>>[vector<16xi32>, vector<16xi32>], vector<16xf32>,
        %mul3A_379 = arith.constant 16 : i32
        %mul3A_380 = arith.muli %scan3A_79, %mul3A_379 : i32
        %swap3A_381 = arith.constant 29 : i32
        %swap3A_382 = arith.index_cast %swap3A_381 : i32 to index
        %swap3A_383 = arith.index_cast %mul3A_380 : i32 to index
        %swap3A_384 = tpu.vector_load %arg12[%swap3A_382, %swap3A_383] {strides = array<i32>} : memref<32x256xf32, #tpu.memory_space<vmem>>, vector<16xf32>,
        tpu.vector_store %arg12[%swap3A_382, %swap3A_383], %gather3A_378 {strides = array<i32>} : memref<32x256xf32, #tpu.memory_space<vmem>>, vector<16xf32>,
        %add3A_385 = arith.constant 30 : i32
        %add3A_386 = vector.broadcast %add3A_385 : i32 to vector<16xi32>
        %add3A_387 = arith.addi %get3A_86, %add3A_386 : vector<16xi32>
        %gather3A_388 = tpu.vector_load_idx %arg10[%add3A_83, %add3A_387] : memref<256x128xf32, #tpu.memory_space<vmem>>[vector<16xi32>, vector<16xi32>], vector<16xf32>,
        %mul3A_389 = arith.constant 16 : i32
        %mul3A_390 = arith.muli %scan3A_79, %mul3A_389 : i32
        %swap3A_391 = arith.constant 30 : i32
        %swap3A_392 = arith.index_cast %swap3A_391 : i32 to index
        %swap3A_393 = arith.index_cast %mul3A_390 : i32 to index
        %swap3A_394 = tpu.vector_load %arg12[%swap3A_392, %swap3A_393] {strides = array<i32>} : memref<32x256xf32, #tpu.memory_space<vmem>>, vector<16xf32>,
        tpu.vector_store %arg12[%swap3A_392, %swap3A_393], %gather3A_388 {strides = array<i32>} : memref<32x256xf32, #tpu.memory_space<vmem>>, vector<16xf32>,
        %add3A_395 = arith.constant 31 : i32
        %add3A_396 = vector.broadcast %add3A_395 : i32 to vector<16xi32>
        %add3A_397 = arith.addi %get3A_86, %add3A_396 : vector<16xi32>
        %gather3A_398 = tpu.vector_load_idx %arg10[%add3A_83, %add3A_397] : memref<256x128xf32, #tpu.memory_space<vmem>>[vector<16xi32>, vector<16xi32>], vector<16xf32>,
        %mul3A_399 = arith.constant 16 : i32
        %mul3A_400 = arith.muli %scan3A_79, %mul3A_399 : i32
        %swap3A_401 = arith.constant 31 : i32
        %swap3A_402 = arith.index_cast %swap3A_401 : i32 to index
        %swap3A_403 = arith.index_cast %mul3A_400 : i32 to index
        %swap3A_404 = tpu.vector_load %arg12[%swap3A_402, %swap3A_403] {strides = array<i32>} : memref<32x256xf32, #tpu.memory_space<vmem>>, vector<16xf32>,
        tpu.vector_store %arg12[%swap3A_402, %swap3A_403], %gather3A_398 {strides = array<i32>} : memref<32x256xf32, #tpu.memory_space<vmem>>, vector<16xf32>,
      }
      %scan3A_61 = arith.constant 16 : i32
      %mul3A_62 = arith.constant 256 : i32
      %mul3A_63 = arith.muli %select_n3A_55, %mul3A_62 : i32
      %add3A_64 = arith.addi %mul3A_2, %mul3A_63 : i32
      "tpu.region"() ({
        %run_scoped3A = tpu.sem_alloc : memref<!tpu.dma_semaphore, #tpu.memory_space<semaphore_mem>>
        %dma_start3A_79 = arith.constant 0 : i32
        %dma_start3A_80 = tpu.memref_slice %arg4[%select_n3A, %dma_start3A_79, %add3A_64] : memref<50x32x16384xf32, #tpu.memory_space<hbm>> -> memref<1x32x256xf32, #tpu.memory_space<hbm>>
        %dma_start3A_81 = tpu.memref_squeeze %dma_start3A_80 : memref<1x32x256xf32, #tpu.memory_space<hbm>> -> memref<32x256xf32, #tpu.memory_space<hbm>>
        %dma_start3A_82 = arith.constant 0 : i32
        %dma_start3A_83 = tpu.memref_slice %arg4[%select_n3A, %dma_start3A_82, %add3A_64] : memref<50x32x16384xf32, #tpu.memory_space<hbm>> -> memref<1x32x256xf32, #tpu.memory_space<hbm>>
        %dma_start3A_84 = tpu.memref_squeeze %dma_start3A_83 : memref<1x32x256xf32, #tpu.memory_space<hbm>> -> memref<32x256xf32, #tpu.memory_space<hbm>>
        tpu.enqueue_dma source(%arg12 : memref<32x256xf32, #tpu.memory_space<vmem>>) target(%dma_start3A_84 : memref<32x256xf32, #tpu.memory_space<hbm>>) target_semaphore(%run_scoped3A : memref<!tpu.dma_semaphore, #tpu.memory_space<semaphore_mem>>)
        %dma_wait3A_85 = arith.constant 0 : i32
        %dma_wait3A_86 = tpu.memref_slice %arg4[%select_n3A, %dma_wait3A_85, %add3A_64] : memref<50x32x16384xf32, #tpu.memory_space<hbm>> -> memref<1x32x256xf32, #tpu.memory_space<hbm>>
        %dma_wait3A_87 = tpu.memref_squeeze %dma_wait3A_86 : memref<1x32x256xf32, #tpu.memory_space<hbm>> -> memref<32x256xf32, #tpu.memory_space<hbm>>
        %dma_wait3A_88 = arith.constant 0 : i32
        %dma_wait3A_89 = tpu.memref_slice %arg4[%select_n3A, %dma_wait3A_88, %add3A_64] : memref<50x32x16384xf32, #tpu.memory_space<hbm>> -> memref<1x32x256xf32, #tpu.memory_space<hbm>>
        %dma_wait3A_90 = tpu.memref_squeeze %dma_wait3A_89 : memref<1x32x256xf32, #tpu.memory_space<hbm>> -> memref<32x256xf32, #tpu.memory_space<hbm>>
        tpu.wait_dma2 semaphore(%run_scoped3A : memref<!tpu.dma_semaphore, #tpu.memory_space<semaphore_mem>>) src(%arg12 : memref<32x256xf32, #tpu.memory_space<vmem>>) dst(%dma_wait3A_90 : memref<32x256xf32, #tpu.memory_space<hbm>>)
        tpu.yield
      }) : () -> ()
      %add3A_65 = arith.constant 2 : i32
      %add3A_66 = arith.addi %mul3A_18, %add3A_65 : i32
      %lt3A_67 = arith.constant 100 : i32
      %lt3A_68 = arith.cmpi slt, %add3A_66, %lt3A_67 : i32
      %convert_element_type3A_69 = arith.extui %lt3A_68 : i1 to i32
      %cond3A_70 = arith.constant 0 : i32
      %cond3A_71 = arith.cmpi ne, %convert_element_type3A_69, %cond3A_70 : i32
      scf.if %cond3A_71 {
        %add3A_79 = arith.constant 2 : i32
        %add3A_80 = arith.addi %mul3A_18, %add3A_79 : i32
        %jit3A_81 = arith.constant 2 : i32
        %div3A_82 = arith.divsi %add3A_80, %jit3A_81 : i32
        %sign3A_83 = arith.constant 0 : i32
        %sign3A_84 = arith.cmpi sgt, %add3A_80, %sign3A_83 : i32
        %sign3A_85 = arith.extui %sign3A_84 : i1 to i32
        %sign3A_86 = arith.constant 0 : i32
        %sign3A_87 = arith.cmpi slt, %add3A_80, %sign3A_86 : i32
        %sign3A_88 = arith.extui %sign3A_87 : i1 to i32
        %sign3A_89 = arith.subi %sign3A_85, %sign3A_88 : i32
        %sign3A_90 = arith.constant 0 : i32
        %sign3A_91 = arith.cmpi sgt, %jit3A_81, %sign3A_90 : i32
        %sign3A_92 = arith.extui %sign3A_91 : i1 to i32
        %sign3A_93 = arith.constant 0 : i32
        %sign3A_94 = arith.cmpi slt, %jit3A_81, %sign3A_93 : i32
        %sign3A_95 = arith.extui %sign3A_94 : i1 to i32
        %sign3A_96 = arith.subi %sign3A_92, %sign3A_95 : i32
        %ne3A_97 = arith.cmpi ne, %sign3A_89, %sign3A_96 : i32
        %rem3A_98 = arith.remsi %add3A_80, %jit3A_81 : i32
        %ne3A_99 = arith.constant 0 : i32
        %ne3A_100 = arith.cmpi ne, %rem3A_98, %ne3A_99 : i32
        %and3A_101 = arith.andi %ne3A_97, %ne3A_100 : i1
        %sub3A_102 = arith.constant 1 : i32
        %sub3A_103 = arith.subi %div3A_82, %sub3A_102 : i32
        %select_n3A_104 = arith.select %and3A_101, %sub3A_103, %div3A_82 : i32
        %jit3A_105 = arith.constant 2 : i32
        %eq3A_106 = arith.constant 0 : i32
        %eq3A_107 = arith.cmpi eq, %jit3A_105, %eq3A_106 : i32
        %jit3A_108 = arith.constant 1 : i32
        %select_n3A_109 = arith.select %eq3A_107, %jit3A_108, %jit3A_105 : i32
        %rem3A_110 = arith.remsi %add3A_80, %select_n3A_109 : i32
        %ne3A_111 = arith.constant 0 : i32
        %ne3A_112 = arith.cmpi ne, %rem3A_110, %ne3A_111 : i32
        %lt3A_113 = arith.constant 0 : i32
        %lt3A_114 = arith.cmpi slt, %rem3A_110, %lt3A_113 : i32
        %lt3A_115 = arith.constant 0 : i32
        %lt3A_116 = arith.cmpi slt, %select_n3A_109, %lt3A_115 : i32
        %ne3A_117 = arith.xori %lt3A_114, %lt3A_116 : i1
        %and3A_118 = arith.andi %ne3A_117, %ne3A_112 : i1
        %add3A_119 = arith.addi %rem3A_110, %select_n3A_109 : i32
        %select_n3A_120 = arith.select %and3A_118, %add3A_119, %rem3A_110 : i32
        %scan3A_121 = arith.constant 0 : i32
        %scan3A_122 = arith.constant 0 : i32
        %scan3A_123 = arith.constant 16 : i32
        %scan3A_124 = arith.addi %scan3A_122, %scan3A_123 : i32
        %scan3A_125 = arith.constant 1 : i32
        scf.for %scan3A_130 = %scan3A_122 to %scan3A_124 step %scan3A_125  : i32 {
          %mul3A_131 = arith.constant 256 : i32
          %mul3A_132 = arith.muli %select_n3A_120, %mul3A_131 : i32
          %mul3A_133 = arith.constant 16 : i32
          %mul3A_134 = arith.muli %scan3A_130, %mul3A_133 : i32
          %add3A_135 = arith.addi %mul3A_132, %mul3A_134 : i32
          %get3A = arith.index_cast %select_n3A_104 : i32 to index
          %get3A_136 = arith.index_cast %add3A_135 : i32 to index
          %get3A_137 = tpu.vector_load %arg5[%get3A, %get3A_136] {strides = array<i32>} : memref<50x512xi32, #tpu.memory_space<vmem>>, vector<16xi32>,
          %shift_right_logical3A = arith.constant 2 : i32
          %shift_right_logical3A_138 = vector.broadcast %shift_right_logical3A : i32 to vector<16xi32>
          %shift_right_logical3A_139 = arith.shrui %get3A_137, %shift_right_logical3A_138 : vector<16xi32>
          %mul3A_140 = arith.constant 16 : i32
          %mul3A_141 = arith.muli %scan3A_130, %mul3A_140 : i32
          %swap3A = arith.index_cast %mul3A_141 : i32 to index
          %swap3A_142 = tpu.vector_load %arg6[%swap3A] {strides = array<i32>} : memref<256xi32, #tpu.memory_space<vmem>>, vector<16xi32>,
          tpu.vector_store %arg6[%swap3A], %shift_right_logical3A_139 {strides = array<i32>} : memref<256xi32, #tpu.memory_space<vmem>>, vector<16xi32>,
          %and3A_143 = arith.constant 3 : i32
          %and3A_144 = vector.broadcast %and3A_143 : i32 to vector<16xi32>
          %and3A_145 = arith.andi %get3A_137, %and3A_144 : vector<16xi32>
          %shift_left3A = arith.constant 5 : i32
          %shift_left3A_146 = vector.broadcast %shift_left3A : i32 to vector<16xi32>
          %shift_left3A_147 = arith.shli %and3A_145, %shift_left3A_146 : vector<16xi32>
          %mul3A_148 = arith.constant 16 : i32
          %mul3A_149 = arith.muli %scan3A_130, %mul3A_148 : i32
          %swap3A_150 = arith.index_cast %mul3A_149 : i32 to index
          %swap3A_151 = tpu.vector_load %arg8[%swap3A_150] {strides = array<i32>} : memref<256xi32, #tpu.memory_space<vmem>>, vector<16xi32>,
          tpu.vector_store %arg8[%swap3A_150], %shift_left3A_147 {strides = array<i32>} : memref<256xi32, #tpu.memory_space<vmem>>, vector<16xi32>,
        }
        %scan3A_126 = arith.constant 16 : i32
        %dma_start3A_127 = arith.constant 0 : i32
        %dma_start3A_128 = arith.constant 0 : i32
        %dma_start3A_129 = tpu.memref_slice %arg2[%dma_start3A_127, %dma_start3A_128] : memref<250000x128xf32, #tpu.memory_space<hbm>> -> memref<250000x128xf32, #tpu.memory_space<hbm>>
        tpu.enqueue_indirect_dma source(%dma_start3A_129 : memref<250000x128xf32, #tpu.memory_space<hbm>>) target(%arg10 : memref<256x128xf32, #tpu.memory_space<vmem>>) offsets(%arg6 : memref<256xi32, #tpu.memory_space<vmem>>) semaphore(%arg13 : memref<!tpu.dma_semaphore, #tpu.memory_space<semaphore_mem>>)
      } else {
      }
      %add3A_72 = arith.constant 1 : i32
      %add3A_73 = arith.addi %mul3A_18, %add3A_72 : i32
      %lt3A_74 = arith.constant 100 : i32
      %lt3A_75 = arith.cmpi slt, %add3A_73, %lt3A_74 : i32
      %convert_element_type3A_76 = arith.extui %lt3A_75 : i1 to i32
      %cond3A_77 = arith.constant 0 : i32
      %cond3A_78 = arith.cmpi ne, %convert_element_type3A_76, %cond3A_77 : i32
      scf.if %cond3A_78 {
        %dma_wait3A_79 = arith.constant 0 : i32
        %dma_wait3A_80 = arith.constant 0 : i32
        %dma_wait3A_81 = tpu.memref_slice %arg2[%dma_wait3A_79, %dma_wait3A_80] : memref<250000x128xf32, #tpu.memory_space<hbm>> -> memref<250000x128xf32, #tpu.memory_space<hbm>>
        tpu.wait_indirect_dma semaphore(%arg14 : memref<!tpu.dma_semaphore, #tpu.memory_space<semaphore_mem>>) src(%dma_wait3A_81 : memref<250000x128xf32, #tpu.memory_space<hbm>>) dst(%arg11 : memref<256x128xf32, #tpu.memory_space<vmem>>)
        %add3A_82 = arith.constant 1 : i32
        %add3A_83 = arith.addi %mul3A_18, %add3A_82 : i32
        %jit3A_84 = arith.constant 2 : i32
        %div3A_85 = arith.divsi %add3A_83, %jit3A_84 : i32
        %sign3A_86 = arith.constant 0 : i32
        %sign3A_87 = arith.cmpi sgt, %add3A_83, %sign3A_86 : i32
        %sign3A_88 = arith.extui %sign3A_87 : i1 to i32
        %sign3A_89 = arith.constant 0 : i32
        %sign3A_90 = arith.cmpi slt, %add3A_83, %sign3A_89 : i32
        %sign3A_91 = arith.extui %sign3A_90 : i1 to i32
        %sign3A_92 = arith.subi %sign3A_88, %sign3A_91 : i32
        %sign3A_93 = arith.constant 0 : i32
        %sign3A_94 = arith.cmpi sgt, %jit3A_84, %sign3A_93 : i32
        %sign3A_95 = arith.extui %sign3A_94 : i1 to i32
        %sign3A_96 = arith.constant 0 : i32
        %sign3A_97 = arith.cmpi slt, %jit3A_84, %sign3A_96 : i32
        %sign3A_98 = arith.extui %sign3A_97 : i1 to i32
        %sign3A_99 = arith.subi %sign3A_95, %sign3A_98 : i32
        %ne3A_100 = arith.cmpi ne, %sign3A_92, %sign3A_99 : i32
        %rem3A_101 = arith.remsi %add3A_83, %jit3A_84 : i32
        %ne3A_102 = arith.constant 0 : i32
        %ne3A_103 = arith.cmpi ne, %rem3A_101, %ne3A_102 : i32
        %and3A_104 = arith.andi %ne3A_100, %ne3A_103 : i1
        %sub3A_105 = arith.constant 1 : i32
        %sub3A_106 = arith.subi %div3A_85, %sub3A_105 : i32
        %select_n3A_107 = arith.select %and3A_104, %sub3A_106, %div3A_85 : i32
        %jit3A_108 = arith.constant 2 : i32
        %eq3A_109 = arith.constant 0 : i32
        %eq3A_110 = arith.cmpi eq, %jit3A_108, %eq3A_109 : i32
        %jit3A_111 = arith.constant 1 : i32
        %select_n3A_112 = arith.select %eq3A_110, %jit3A_111, %jit3A_108 : i32
        %rem3A_113 = arith.remsi %add3A_83, %select_n3A_112 : i32
        %ne3A_114 = arith.constant 0 : i32
        %ne3A_115 = arith.cmpi ne, %rem3A_113, %ne3A_114 : i32
        %lt3A_116 = arith.constant 0 : i32
        %lt3A_117 = arith.cmpi slt, %rem3A_113, %lt3A_116 : i32
        %lt3A_118 = arith.constant 0 : i32
        %lt3A_119 = arith.cmpi slt, %select_n3A_112, %lt3A_118 : i32
        %ne3A_120 = arith.xori %lt3A_117, %lt3A_119 : i1
        %and3A_121 = arith.andi %ne3A_120, %ne3A_115 : i1
        %add3A_122 = arith.addi %rem3A_113, %select_n3A_112 : i32
        %select_n3A_123 = arith.select %and3A_121, %add3A_122, %rem3A_113 : i32
        %scan3A_124 = arith.constant 0 : i32
        %scan3A_125 = arith.constant 0 : i32
        %scan3A_126 = arith.constant 16 : i32
        %scan3A_127 = arith.addi %scan3A_125, %scan3A_126 : i32
        %scan3A_128 = arith.constant 1 : i32
        scf.for %scan3A_133 = %scan3A_125 to %scan3A_127 step %scan3A_128  : i32 {
          %mul3A_134 = arith.constant 16 : i32
          %mul3A_135 = arith.muli %scan3A_133, %mul3A_134 : i32
          %add3A_136 = vector.broadcast %mul3A_135 : i32 to vector<16xi32>
          %add3A_137 = arith.addi %add3A_136, %iota3A : vector<16xi32>
          %mul3A_138 = arith.constant 16 : i32
          %mul3A_139 = arith.muli %scan3A_133, %mul3A_138 : i32
          %get3A = arith.index_cast %mul3A_139 : i32 to index
          %get3A_140 = tpu.vector_load %arg9[%get3A] {strides = array<i32>} : memref<256xi32, #tpu.memory_space<vmem>>, vector<16xi32>,
          %add3A_141 = arith.constant 0 : i32
          %add3A_142 = vector.broadcast %add3A_141 : i32 to vector<16xi32>
          %add3A_143 = arith.addi %get3A_140, %add3A_142 : vector<16xi32>
          %gather3A = tpu.vector_load_idx %arg11[%add3A_137, %add3A_143] : memref<256x128xf32, #tpu.memory_space<vmem>>[vector<16xi32>, vector<16xi32>], vector<16xf32>,
          %mul3A_144 = arith.constant 16 : i32
          %mul3A_145 = arith.muli %scan3A_133, %mul3A_144 : i32
          %swap3A = arith.constant 0 : i32
          %swap3A_146 = arith.index_cast %swap3A : i32 to index
          %swap3A_147 = arith.index_cast %mul3A_145 : i32 to index
          %swap3A_148 = tpu.vector_load %arg12[%swap3A_146, %swap3A_147] {strides = array<i32>} : memref<32x256xf32, #tpu.memory_space<vmem>>, vector<16xf32>,
          tpu.vector_store %arg12[%swap3A_146, %swap3A_147], %gather3A {strides = array<i32>} : memref<32x256xf32, #tpu.memory_space<vmem>>, vector<16xf32>,
          %add3A_149 = arith.constant 1 : i32
          %add3A_150 = vector.broadcast %add3A_149 : i32 to vector<16xi32>
          %add3A_151 = arith.addi %get3A_140, %add3A_150 : vector<16xi32>
          %gather3A_152 = tpu.vector_load_idx %arg11[%add3A_137, %add3A_151] : memref<256x128xf32, #tpu.memory_space<vmem>>[vector<16xi32>, vector<16xi32>], vector<16xf32>,
          %mul3A_153 = arith.constant 16 : i32
          %mul3A_154 = arith.muli %scan3A_133, %mul3A_153 : i32
          %swap3A_155 = arith.constant 1 : i32
          %swap3A_156 = arith.index_cast %swap3A_155 : i32 to index
          %swap3A_157 = arith.index_cast %mul3A_154 : i32 to index
          %swap3A_158 = tpu.vector_load %arg12[%swap3A_156, %swap3A_157] {strides = array<i32>} : memref<32x256xf32, #tpu.memory_space<vmem>>, vector<16xf32>,
          tpu.vector_store %arg12[%swap3A_156, %swap3A_157], %gather3A_152 {strides = array<i32>} : memref<32x256xf32, #tpu.memory_space<vmem>>, vector<16xf32>,
          %add3A_159 = arith.constant 2 : i32
          %add3A_160 = vector.broadcast %add3A_159 : i32 to vector<16xi32>
          %add3A_161 = arith.addi %get3A_140, %add3A_160 : vector<16xi32>
          %gather3A_162 = tpu.vector_load_idx %arg11[%add3A_137, %add3A_161] : memref<256x128xf32, #tpu.memory_space<vmem>>[vector<16xi32>, vector<16xi32>], vector<16xf32>,
          %mul3A_163 = arith.constant 16 : i32
          %mul3A_164 = arith.muli %scan3A_133, %mul3A_163 : i32
          %swap3A_165 = arith.constant 2 : i32
          %swap3A_166 = arith.index_cast %swap3A_165 : i32 to index
          %swap3A_167 = arith.index_cast %mul3A_164 : i32 to index
          %swap3A_168 = tpu.vector_load %arg12[%swap3A_166, %swap3A_167] {strides = array<i32>} : memref<32x256xf32, #tpu.memory_space<vmem>>, vector<16xf32>,
          tpu.vector_store %arg12[%swap3A_166, %swap3A_167], %gather3A_162 {strides = array<i32>} : memref<32x256xf32, #tpu.memory_space<vmem>>, vector<16xf32>,
          %add3A_169 = arith.constant 3 : i32
          %add3A_170 = vector.broadcast %add3A_169 : i32 to vector<16xi32>
          %add3A_171 = arith.addi %get3A_140, %add3A_170 : vector<16xi32>
          %gather3A_172 = tpu.vector_load_idx %arg11[%add3A_137, %add3A_171] : memref<256x128xf32, #tpu.memory_space<vmem>>[vector<16xi32>, vector<16xi32>], vector<16xf32>,
          %mul3A_173 = arith.constant 16 : i32
          %mul3A_174 = arith.muli %scan3A_133, %mul3A_173 : i32
          %swap3A_175 = arith.constant 3 : i32
          %swap3A_176 = arith.index_cast %swap3A_175 : i32 to index
          %swap3A_177 = arith.index_cast %mul3A_174 : i32 to index
          %swap3A_178 = tpu.vector_load %arg12[%swap3A_176, %swap3A_177] {strides = array<i32>} : memref<32x256xf32, #tpu.memory_space<vmem>>, vector<16xf32>,
          tpu.vector_store %arg12[%swap3A_176, %swap3A_177], %gather3A_172 {strides = array<i32>} : memref<32x256xf32, #tpu.memory_space<vmem>>, vector<16xf32>,
          %add3A_179 = arith.constant 4 : i32
          %add3A_180 = vector.broadcast %add3A_179 : i32 to vector<16xi32>
          %add3A_181 = arith.addi %get3A_140, %add3A_180 : vector<16xi32>
          %gather3A_182 = tpu.vector_load_idx %arg11[%add3A_137, %add3A_181] : memref<256x128xf32, #tpu.memory_space<vmem>>[vector<16xi32>, vector<16xi32>], vector<16xf32>,
          %mul3A_183 = arith.constant 16 : i32
          %mul3A_184 = arith.muli %scan3A_133, %mul3A_183 : i32
          %swap3A_185 = arith.constant 4 : i32
          %swap3A_186 = arith.index_cast %swap3A_185 : i32 to index
          %swap3A_187 = arith.index_cast %mul3A_184 : i32 to index
          %swap3A_188 = tpu.vector_load %arg12[%swap3A_186, %swap3A_187] {strides = array<i32>} : memref<32x256xf32, #tpu.memory_space<vmem>>, vector<16xf32>,
          tpu.vector_store %arg12[%swap3A_186, %swap3A_187], %gather3A_182 {strides = array<i32>} : memref<32x256xf32, #tpu.memory_space<vmem>>, vector<16xf32>,
          %add3A_189 = arith.constant 5 : i32
          %add3A_190 = vector.broadcast %add3A_189 : i32 to vector<16xi32>
          %add3A_191 = arith.addi %get3A_140, %add3A_190 : vector<16xi32>
          %gather3A_192 = tpu.vector_load_idx %arg11[%add3A_137, %add3A_191] : memref<256x128xf32, #tpu.memory_space<vmem>>[vector<16xi32>, vector<16xi32>], vector<16xf32>,
          %mul3A_193 = arith.constant 16 : i32
          %mul3A_194 = arith.muli %scan3A_133, %mul3A_193 : i32
          %swap3A_195 = arith.constant 5 : i32
          %swap3A_196 = arith.index_cast %swap3A_195 : i32 to index
          %swap3A_197 = arith.index_cast %mul3A_194 : i32 to index
          %swap3A_198 = tpu.vector_load %arg12[%swap3A_196, %swap3A_197] {strides = array<i32>} : memref<32x256xf32, #tpu.memory_space<vmem>>, vector<16xf32>,
          tpu.vector_store %arg12[%swap3A_196, %swap3A_197], %gather3A_192 {strides = array<i32>} : memref<32x256xf32, #tpu.memory_space<vmem>>, vector<16xf32>,
          %add3A_199 = arith.constant 6 : i32
          %add3A_200 = vector.broadcast %add3A_199 : i32 to vector<16xi32>
          %add3A_201 = arith.addi %get3A_140, %add3A_200 : vector<16xi32>
          %gather3A_202 = tpu.vector_load_idx %arg11[%add3A_137, %add3A_201] : memref<256x128xf32, #tpu.memory_space<vmem>>[vector<16xi32>, vector<16xi32>], vector<16xf32>,
          %mul3A_203 = arith.constant 16 : i32
          %mul3A_204 = arith.muli %scan3A_133, %mul3A_203 : i32
          %swap3A_205 = arith.constant 6 : i32
          %swap3A_206 = arith.index_cast %swap3A_205 : i32 to index
          %swap3A_207 = arith.index_cast %mul3A_204 : i32 to index
          %swap3A_208 = tpu.vector_load %arg12[%swap3A_206, %swap3A_207] {strides = array<i32>} : memref<32x256xf32, #tpu.memory_space<vmem>>, vector<16xf32>,
          tpu.vector_store %arg12[%swap3A_206, %swap3A_207], %gather3A_202 {strides = array<i32>} : memref<32x256xf32, #tpu.memory_space<vmem>>, vector<16xf32>,
          %add3A_209 = arith.constant 7 : i32
          %add3A_210 = vector.broadcast %add3A_209 : i32 to vector<16xi32>
          %add3A_211 = arith.addi %get3A_140, %add3A_210 : vector<16xi32>
          %gather3A_212 = tpu.vector_load_idx %arg11[%add3A_137, %add3A_211] : memref<256x128xf32, #tpu.memory_space<vmem>>[vector<16xi32>, vector<16xi32>], vector<16xf32>,
          %mul3A_213 = arith.constant 16 : i32
          %mul3A_214 = arith.muli %scan3A_133, %mul3A_213 : i32
          %swap3A_215 = arith.constant 7 : i32
          %swap3A_216 = arith.index_cast %swap3A_215 : i32 to index
          %swap3A_217 = arith.index_cast %mul3A_214 : i32 to index
          %swap3A_218 = tpu.vector_load %arg12[%swap3A_216, %swap3A_217] {strides = array<i32>} : memref<32x256xf32, #tpu.memory_space<vmem>>, vector<16xf32>,
          tpu.vector_store %arg12[%swap3A_216, %swap3A_217], %gather3A_212 {strides = array<i32>} : memref<32x256xf32, #tpu.memory_space<vmem>>, vector<16xf32>,
          %add3A_219 = arith.constant 8 : i32
          %add3A_220 = vector.broadcast %add3A_219 : i32 to vector<16xi32>
          %add3A_221 = arith.addi %get3A_140, %add3A_220 : vector<16xi32>
          %gather3A_222 = tpu.vector_load_idx %arg11[%add3A_137, %add3A_221] : memref<256x128xf32, #tpu.memory_space<vmem>>[vector<16xi32>, vector<16xi32>], vector<16xf32>,
          %mul3A_223 = arith.constant 16 : i32
          %mul3A_224 = arith.muli %scan3A_133, %mul3A_223 : i32
          %swap3A_225 = arith.constant 8 : i32
          %swap3A_226 = arith.index_cast %swap3A_225 : i32 to index
          %swap3A_227 = arith.index_cast %mul3A_224 : i32 to index
          %swap3A_228 = tpu.vector_load %arg12[%swap3A_226, %swap3A_227] {strides = array<i32>} : memref<32x256xf32, #tpu.memory_space<vmem>>, vector<16xf32>,
          tpu.vector_store %arg12[%swap3A_226, %swap3A_227], %gather3A_222 {strides = array<i32>} : memref<32x256xf32, #tpu.memory_space<vmem>>, vector<16xf32>,
          %add3A_229 = arith.constant 9 : i32
          %add3A_230 = vector.broadcast %add3A_229 : i32 to vector<16xi32>
          %add3A_231 = arith.addi %get3A_140, %add3A_230 : vector<16xi32>
          %gather3A_232 = tpu.vector_load_idx %arg11[%add3A_137, %add3A_231] : memref<256x128xf32, #tpu.memory_space<vmem>>[vector<16xi32>, vector<16xi32>], vector<16xf32>,
          %mul3A_233 = arith.constant 16 : i32
          %mul3A_234 = arith.muli %scan3A_133, %mul3A_233 : i32
          %swap3A_235 = arith.constant 9 : i32
          %swap3A_236 = arith.index_cast %swap3A_235 : i32 to index
          %swap3A_237 = arith.index_cast %mul3A_234 : i32 to index
          %swap3A_238 = tpu.vector_load %arg12[%swap3A_236, %swap3A_237] {strides = array<i32>} : memref<32x256xf32, #tpu.memory_space<vmem>>, vector<16xf32>,
          tpu.vector_store %arg12[%swap3A_236, %swap3A_237], %gather3A_232 {strides = array<i32>} : memref<32x256xf32, #tpu.memory_space<vmem>>, vector<16xf32>,
          %add3A_239 = arith.constant 10 : i32
          %add3A_240 = vector.broadcast %add3A_239 : i32 to vector<16xi32>
          %add3A_241 = arith.addi %get3A_140, %add3A_240 : vector<16xi32>
          %gather3A_242 = tpu.vector_load_idx %arg11[%add3A_137, %add3A_241] : memref<256x128xf32, #tpu.memory_space<vmem>>[vector<16xi32>, vector<16xi32>], vector<16xf32>,
          %mul3A_243 = arith.constant 16 : i32
          %mul3A_244 = arith.muli %scan3A_133, %mul3A_243 : i32
          %swap3A_245 = arith.constant 10 : i32
          %swap3A_246 = arith.index_cast %swap3A_245 : i32 to index
          %swap3A_247 = arith.index_cast %mul3A_244 : i32 to index
          %swap3A_248 = tpu.vector_load %arg12[%swap3A_246, %swap3A_247] {strides = array<i32>} : memref<32x256xf32, #tpu.memory_space<vmem>>, vector<16xf32>,
          tpu.vector_store %arg12[%swap3A_246, %swap3A_247], %gather3A_242 {strides = array<i32>} : memref<32x256xf32, #tpu.memory_space<vmem>>, vector<16xf32>,
          %add3A_249 = arith.constant 11 : i32
          %add3A_250 = vector.broadcast %add3A_249 : i32 to vector<16xi32>
          %add3A_251 = arith.addi %get3A_140, %add3A_250 : vector<16xi32>
          %gather3A_252 = tpu.vector_load_idx %arg11[%add3A_137, %add3A_251] : memref<256x128xf32, #tpu.memory_space<vmem>>[vector<16xi32>, vector<16xi32>], vector<16xf32>,
          %mul3A_253 = arith.constant 16 : i32
          %mul3A_254 = arith.muli %scan3A_133, %mul3A_253 : i32
          %swap3A_255 = arith.constant 11 : i32
          %swap3A_256 = arith.index_cast %swap3A_255 : i32 to index
          %swap3A_257 = arith.index_cast %mul3A_254 : i32 to index
          %swap3A_258 = tpu.vector_load %arg12[%swap3A_256, %swap3A_257] {strides = array<i32>} : memref<32x256xf32, #tpu.memory_space<vmem>>, vector<16xf32>,
          tpu.vector_store %arg12[%swap3A_256, %swap3A_257], %gather3A_252 {strides = array<i32>} : memref<32x256xf32, #tpu.memory_space<vmem>>, vector<16xf32>,
          %add3A_259 = arith.constant 12 : i32
          %add3A_260 = vector.broadcast %add3A_259 : i32 to vector<16xi32>
          %add3A_261 = arith.addi %get3A_140, %add3A_260 : vector<16xi32>
          %gather3A_262 = tpu.vector_load_idx %arg11[%add3A_137, %add3A_261] : memref<256x128xf32, #tpu.memory_space<vmem>>[vector<16xi32>, vector<16xi32>], vector<16xf32>,
          %mul3A_263 = arith.constant 16 : i32
          %mul3A_264 = arith.muli %scan3A_133, %mul3A_263 : i32
          %swap3A_265 = arith.constant 12 : i32
          %swap3A_266 = arith.index_cast %swap3A_265 : i32 to index
          %swap3A_267 = arith.index_cast %mul3A_264 : i32 to index
          %swap3A_268 = tpu.vector_load %arg12[%swap3A_266, %swap3A_267] {strides = array<i32>} : memref<32x256xf32, #tpu.memory_space<vmem>>, vector<16xf32>,
          tpu.vector_store %arg12[%swap3A_266, %swap3A_267], %gather3A_262 {strides = array<i32>} : memref<32x256xf32, #tpu.memory_space<vmem>>, vector<16xf32>,
          %add3A_269 = arith.constant 13 : i32
          %add3A_270 = vector.broadcast %add3A_269 : i32 to vector<16xi32>
          %add3A_271 = arith.addi %get3A_140, %add3A_270 : vector<16xi32>
          %gather3A_272 = tpu.vector_load_idx %arg11[%add3A_137, %add3A_271] : memref<256x128xf32, #tpu.memory_space<vmem>>[vector<16xi32>, vector<16xi32>], vector<16xf32>,
          %mul3A_273 = arith.constant 16 : i32
          %mul3A_274 = arith.muli %scan3A_133, %mul3A_273 : i32
          %swap3A_275 = arith.constant 13 : i32
          %swap3A_276 = arith.index_cast %swap3A_275 : i32 to index
          %swap3A_277 = arith.index_cast %mul3A_274 : i32 to index
          %swap3A_278 = tpu.vector_load %arg12[%swap3A_276, %swap3A_277] {strides = array<i32>} : memref<32x256xf32, #tpu.memory_space<vmem>>, vector<16xf32>,
          tpu.vector_store %arg12[%swap3A_276, %swap3A_277], %gather3A_272 {strides = array<i32>} : memref<32x256xf32, #tpu.memory_space<vmem>>, vector<16xf32>,
          %add3A_279 = arith.constant 14 : i32
          %add3A_280 = vector.broadcast %add3A_279 : i32 to vector<16xi32>
          %add3A_281 = arith.addi %get3A_140, %add3A_280 : vector<16xi32>
          %gather3A_282 = tpu.vector_load_idx %arg11[%add3A_137, %add3A_281] : memref<256x128xf32, #tpu.memory_space<vmem>>[vector<16xi32>, vector<16xi32>], vector<16xf32>,
          %mul3A_283 = arith.constant 16 : i32
          %mul3A_284 = arith.muli %scan3A_133, %mul3A_283 : i32
          %swap3A_285 = arith.constant 14 : i32
          %swap3A_286 = arith.index_cast %swap3A_285 : i32 to index
          %swap3A_287 = arith.index_cast %mul3A_284 : i32 to index
          %swap3A_288 = tpu.vector_load %arg12[%swap3A_286, %swap3A_287] {strides = array<i32>} : memref<32x256xf32, #tpu.memory_space<vmem>>, vector<16xf32>,
          tpu.vector_store %arg12[%swap3A_286, %swap3A_287], %gather3A_282 {strides = array<i32>} : memref<32x256xf32, #tpu.memory_space<vmem>>, vector<16xf32>,
          %add3A_289 = arith.constant 15 : i32
          %add3A_290 = vector.broadcast %add3A_289 : i32 to vector<16xi32>
          %add3A_291 = arith.addi %get3A_140, %add3A_290 : vector<16xi32>
          %gather3A_292 = tpu.vector_load_idx %arg11[%add3A_137, %add3A_291] : memref<256x128xf32, #tpu.memory_space<vmem>>[vector<16xi32>, vector<16xi32>], vector<16xf32>,
          %mul3A_293 = arith.constant 16 : i32
          %mul3A_294 = arith.muli %scan3A_133, %mul3A_293 : i32
          %swap3A_295 = arith.constant 15 : i32
          %swap3A_296 = arith.index_cast %swap3A_295 : i32 to index
          %swap3A_297 = arith.index_cast %mul3A_294 : i32 to index
          %swap3A_298 = tpu.vector_load %arg12[%swap3A_296, %swap3A_297] {strides = array<i32>} : memref<32x256xf32, #tpu.memory_space<vmem>>, vector<16xf32>,
          tpu.vector_store %arg12[%swap3A_296, %swap3A_297], %gather3A_292 {strides = array<i32>} : memref<32x256xf32, #tpu.memory_space<vmem>>, vector<16xf32>,
          %add3A_299 = arith.constant 16 : i32
          %add3A_300 = vector.broadcast %add3A_299 : i32 to vector<16xi32>
          %add3A_301 = arith.addi %get3A_140, %add3A_300 : vector<16xi32>
          %gather3A_302 = tpu.vector_load_idx %arg11[%add3A_137, %add3A_301] : memref<256x128xf32, #tpu.memory_space<vmem>>[vector<16xi32>, vector<16xi32>], vector<16xf32>,
          %mul3A_303 = arith.constant 16 : i32
          %mul3A_304 = arith.muli %scan3A_133, %mul3A_303 : i32
          %swap3A_305 = arith.constant 16 : i32
          %swap3A_306 = arith.index_cast %swap3A_305 : i32 to index
          %swap3A_307 = arith.index_cast %mul3A_304 : i32 to index
          %swap3A_308 = tpu.vector_load %arg12[%swap3A_306, %swap3A_307] {strides = array<i32>} : memref<32x256xf32, #tpu.memory_space<vmem>>, vector<16xf32>,
          tpu.vector_store %arg12[%swap3A_306, %swap3A_307], %gather3A_302 {strides = array<i32>} : memref<32x256xf32, #tpu.memory_space<vmem>>, vector<16xf32>,
          %add3A_309 = arith.constant 17 : i32
          %add3A_310 = vector.broadcast %add3A_309 : i32 to vector<16xi32>
          %add3A_311 = arith.addi %get3A_140, %add3A_310 : vector<16xi32>
          %gather3A_312 = tpu.vector_load_idx %arg11[%add3A_137, %add3A_311] : memref<256x128xf32, #tpu.memory_space<vmem>>[vector<16xi32>, vector<16xi32>], vector<16xf32>,
          %mul3A_313 = arith.constant 16 : i32
          %mul3A_314 = arith.muli %scan3A_133, %mul3A_313 : i32
          %swap3A_315 = arith.constant 17 : i32
          %swap3A_316 = arith.index_cast %swap3A_315 : i32 to index
          %swap3A_317 = arith.index_cast %mul3A_314 : i32 to index
          %swap3A_318 = tpu.vector_load %arg12[%swap3A_316, %swap3A_317] {strides = array<i32>} : memref<32x256xf32, #tpu.memory_space<vmem>>, vector<16xf32>,
          tpu.vector_store %arg12[%swap3A_316, %swap3A_317], %gather3A_312 {strides = array<i32>} : memref<32x256xf32, #tpu.memory_space<vmem>>, vector<16xf32>,
          %add3A_319 = arith.constant 18 : i32
          %add3A_320 = vector.broadcast %add3A_319 : i32 to vector<16xi32>
          %add3A_321 = arith.addi %get3A_140, %add3A_320 : vector<16xi32>
          %gather3A_322 = tpu.vector_load_idx %arg11[%add3A_137, %add3A_321] : memref<256x128xf32, #tpu.memory_space<vmem>>[vector<16xi32>, vector<16xi32>], vector<16xf32>,
          %mul3A_323 = arith.constant 16 : i32
          %mul3A_324 = arith.muli %scan3A_133, %mul3A_323 : i32
          %swap3A_325 = arith.constant 18 : i32
          %swap3A_326 = arith.index_cast %swap3A_325 : i32 to index
          %swap3A_327 = arith.index_cast %mul3A_324 : i32 to index
          %swap3A_328 = tpu.vector_load %arg12[%swap3A_326, %swap3A_327] {strides = array<i32>} : memref<32x256xf32, #tpu.memory_space<vmem>>, vector<16xf32>,
          tpu.vector_store %arg12[%swap3A_326, %swap3A_327], %gather3A_322 {strides = array<i32>} : memref<32x256xf32, #tpu.memory_space<vmem>>, vector<16xf32>,
          %add3A_329 = arith.constant 19 : i32
          %add3A_330 = vector.broadcast %add3A_329 : i32 to vector<16xi32>
          %add3A_331 = arith.addi %get3A_140, %add3A_330 : vector<16xi32>
          %gather3A_332 = tpu.vector_load_idx %arg11[%add3A_137, %add3A_331] : memref<256x128xf32, #tpu.memory_space<vmem>>[vector<16xi32>, vector<16xi32>], vector<16xf32>,
          %mul3A_333 = arith.constant 16 : i32
          %mul3A_334 = arith.muli %scan3A_133, %mul3A_333 : i32
          %swap3A_335 = arith.constant 19 : i32
          %swap3A_336 = arith.index_cast %swap3A_335 : i32 to index
          %swap3A_337 = arith.index_cast %mul3A_334 : i32 to index
          %swap3A_338 = tpu.vector_load %arg12[%swap3A_336, %swap3A_337] {strides = array<i32>} : memref<32x256xf32, #tpu.memory_space<vmem>>, vector<16xf32>,
          tpu.vector_store %arg12[%swap3A_336, %swap3A_337], %gather3A_332 {strides = array<i32>} : memref<32x256xf32, #tpu.memory_space<vmem>>, vector<16xf32>,
          %add3A_339 = arith.constant 20 : i32
          %add3A_340 = vector.broadcast %add3A_339 : i32 to vector<16xi32>
          %add3A_341 = arith.addi %get3A_140, %add3A_340 : vector<16xi32>
          %gather3A_342 = tpu.vector_load_idx %arg11[%add3A_137, %add3A_341] : memref<256x128xf32, #tpu.memory_space<vmem>>[vector<16xi32>, vector<16xi32>], vector<16xf32>,
          %mul3A_343 = arith.constant 16 : i32
          %mul3A_344 = arith.muli %scan3A_133, %mul3A_343 : i32
          %swap3A_345 = arith.constant 20 : i32
          %swap3A_346 = arith.index_cast %swap3A_345 : i32 to index
          %swap3A_347 = arith.index_cast %mul3A_344 : i32 to index
          %swap3A_348 = tpu.vector_load %arg12[%swap3A_346, %swap3A_347] {strides = array<i32>} : memref<32x256xf32, #tpu.memory_space<vmem>>, vector<16xf32>,
          tpu.vector_store %arg12[%swap3A_346, %swap3A_347], %gather3A_342 {strides = array<i32>} : memref<32x256xf32, #tpu.memory_space<vmem>>, vector<16xf32>,
          %add3A_349 = arith.constant 21 : i32
          %add3A_350 = vector.broadcast %add3A_349 : i32 to vector<16xi32>
          %add3A_351 = arith.addi %get3A_140, %add3A_350 : vector<16xi32>
          %gather3A_352 = tpu.vector_load_idx %arg11[%add3A_137, %add3A_351] : memref<256x128xf32, #tpu.memory_space<vmem>>[vector<16xi32>, vector<16xi32>], vector<16xf32>,
          %mul3A_353 = arith.constant 16 : i32
          %mul3A_354 = arith.muli %scan3A_133, %mul3A_353 : i32
          %swap3A_355 = arith.constant 21 : i32
          %swap3A_356 = arith.index_cast %swap3A_355 : i32 to index
          %swap3A_357 = arith.index_cast %mul3A_354 : i32 to index
          %swap3A_358 = tpu.vector_load %arg12[%swap3A_356, %swap3A_357] {strides = array<i32>} : memref<32x256xf32, #tpu.memory_space<vmem>>, vector<16xf32>,
          tpu.vector_store %arg12[%swap3A_356, %swap3A_357], %gather3A_352 {strides = array<i32>} : memref<32x256xf32, #tpu.memory_space<vmem>>, vector<16xf32>,
          %add3A_359 = arith.constant 22 : i32
          %add3A_360 = vector.broadcast %add3A_359 : i32 to vector<16xi32>
          %add3A_361 = arith.addi %get3A_140, %add3A_360 : vector<16xi32>
          %gather3A_362 = tpu.vector_load_idx %arg11[%add3A_137, %add3A_361] : memref<256x128xf32, #tpu.memory_space<vmem>>[vector<16xi32>, vector<16xi32>], vector<16xf32>,
          %mul3A_363 = arith.constant 16 : i32
          %mul3A_364 = arith.muli %scan3A_133, %mul3A_363 : i32
          %swap3A_365 = arith.constant 22 : i32
          %swap3A_366 = arith.index_cast %swap3A_365 : i32 to index
          %swap3A_367 = arith.index_cast %mul3A_364 : i32 to index
          %swap3A_368 = tpu.vector_load %arg12[%swap3A_366, %swap3A_367] {strides = array<i32>} : memref<32x256xf32, #tpu.memory_space<vmem>>, vector<16xf32>,
          tpu.vector_store %arg12[%swap3A_366, %swap3A_367], %gather3A_362 {strides = array<i32>} : memref<32x256xf32, #tpu.memory_space<vmem>>, vector<16xf32>,
          %add3A_369 = arith.constant 23 : i32
          %add3A_370 = vector.broadcast %add3A_369 : i32 to vector<16xi32>
          %add3A_371 = arith.addi %get3A_140, %add3A_370 : vector<16xi32>
          %gather3A_372 = tpu.vector_load_idx %arg11[%add3A_137, %add3A_371] : memref<256x128xf32, #tpu.memory_space<vmem>>[vector<16xi32>, vector<16xi32>], vector<16xf32>,
          %mul3A_373 = arith.constant 16 : i32
          %mul3A_374 = arith.muli %scan3A_133, %mul3A_373 : i32
          %swap3A_375 = arith.constant 23 : i32
          %swap3A_376 = arith.index_cast %swap3A_375 : i32 to index
          %swap3A_377 = arith.index_cast %mul3A_374 : i32 to index
          %swap3A_378 = tpu.vector_load %arg12[%swap3A_376, %swap3A_377] {strides = array<i32>} : memref<32x256xf32, #tpu.memory_space<vmem>>, vector<16xf32>,
          tpu.vector_store %arg12[%swap3A_376, %swap3A_377], %gather3A_372 {strides = array<i32>} : memref<32x256xf32, #tpu.memory_space<vmem>>, vector<16xf32>,
          %add3A_379 = arith.constant 24 : i32
          %add3A_380 = vector.broadcast %add3A_379 : i32 to vector<16xi32>
          %add3A_381 = arith.addi %get3A_140, %add3A_380 : vector<16xi32>
          %gather3A_382 = tpu.vector_load_idx %arg11[%add3A_137, %add3A_381] : memref<256x128xf32, #tpu.memory_space<vmem>>[vector<16xi32>, vector<16xi32>], vector<16xf32>,
          %mul3A_383 = arith.constant 16 : i32
          %mul3A_384 = arith.muli %scan3A_133, %mul3A_383 : i32
          %swap3A_385 = arith.constant 24 : i32
          %swap3A_386 = arith.index_cast %swap3A_385 : i32 to index
          %swap3A_387 = arith.index_cast %mul3A_384 : i32 to index
          %swap3A_388 = tpu.vector_load %arg12[%swap3A_386, %swap3A_387] {strides = array<i32>} : memref<32x256xf32, #tpu.memory_space<vmem>>, vector<16xf32>,
          tpu.vector_store %arg12[%swap3A_386, %swap3A_387], %gather3A_382 {strides = array<i32>} : memref<32x256xf32, #tpu.memory_space<vmem>>, vector<16xf32>,
          %add3A_389 = arith.constant 25 : i32
          %add3A_390 = vector.broadcast %add3A_389 : i32 to vector<16xi32>
          %add3A_391 = arith.addi %get3A_140, %add3A_390 : vector<16xi32>
          %gather3A_392 = tpu.vector_load_idx %arg11[%add3A_137, %add3A_391] : memref<256x128xf32, #tpu.memory_space<vmem>>[vector<16xi32>, vector<16xi32>], vector<16xf32>,
          %mul3A_393 = arith.constant 16 : i32
          %mul3A_394 = arith.muli %scan3A_133, %mul3A_393 : i32
          %swap3A_395 = arith.constant 25 : i32
          %swap3A_396 = arith.index_cast %swap3A_395 : i32 to index
          %swap3A_397 = arith.index_cast %mul3A_394 : i32 to index
          %swap3A_398 = tpu.vector_load %arg12[%swap3A_396, %swap3A_397] {strides = array<i32>} : memref<32x256xf32, #tpu.memory_space<vmem>>, vector<16xf32>,
          tpu.vector_store %arg12[%swap3A_396, %swap3A_397], %gather3A_392 {strides = array<i32>} : memref<32x256xf32, #tpu.memory_space<vmem>>, vector<16xf32>,
          %add3A_399 = arith.constant 26 : i32
          %add3A_400 = vector.broadcast %add3A_399 : i32 to vector<16xi32>
          %add3A_401 = arith.addi %get3A_140, %add3A_400 : vector<16xi32>
          %gather3A_402 = tpu.vector_load_idx %arg11[%add3A_137, %add3A_401] : memref<256x128xf32, #tpu.memory_space<vmem>>[vector<16xi32>, vector<16xi32>], vector<16xf32>,
          %mul3A_403 = arith.constant 16 : i32
          %mul3A_404 = arith.muli %scan3A_133, %mul3A_403 : i32
          %swap3A_405 = arith.constant 26 : i32
          %swap3A_406 = arith.index_cast %swap3A_405 : i32 to index
          %swap3A_407 = arith.index_cast %mul3A_404 : i32 to index
          %swap3A_408 = tpu.vector_load %arg12[%swap3A_406, %swap3A_407] {strides = array<i32>} : memref<32x256xf32, #tpu.memory_space<vmem>>, vector<16xf32>,
          tpu.vector_store %arg12[%swap3A_406, %swap3A_407], %gather3A_402 {strides = array<i32>} : memref<32x256xf32, #tpu.memory_space<vmem>>, vector<16xf32>,
          %add3A_409 = arith.constant 27 : i32
          %add3A_410 = vector.broadcast %add3A_409 : i32 to vector<16xi32>
          %add3A_411 = arith.addi %get3A_140, %add3A_410 : vector<16xi32>
          %gather3A_412 = tpu.vector_load_idx %arg11[%add3A_137, %add3A_411] : memref<256x128xf32, #tpu.memory_space<vmem>>[vector<16xi32>, vector<16xi32>], vector<16xf32>,
          %mul3A_413 = arith.constant 16 : i32
          %mul3A_414 = arith.muli %scan3A_133, %mul3A_413 : i32
          %swap3A_415 = arith.constant 27 : i32
          %swap3A_416 = arith.index_cast %swap3A_415 : i32 to index
          %swap3A_417 = arith.index_cast %mul3A_414 : i32 to index
          %swap3A_418 = tpu.vector_load %arg12[%swap3A_416, %swap3A_417] {strides = array<i32>} : memref<32x256xf32, #tpu.memory_space<vmem>>, vector<16xf32>,
          tpu.vector_store %arg12[%swap3A_416, %swap3A_417], %gather3A_412 {strides = array<i32>} : memref<32x256xf32, #tpu.memory_space<vmem>>, vector<16xf32>,
          %add3A_419 = arith.constant 28 : i32
          %add3A_420 = vector.broadcast %add3A_419 : i32 to vector<16xi32>
          %add3A_421 = arith.addi %get3A_140, %add3A_420 : vector<16xi32>
          %gather3A_422 = tpu.vector_load_idx %arg11[%add3A_137, %add3A_421] : memref<256x128xf32, #tpu.memory_space<vmem>>[vector<16xi32>, vector<16xi32>], vector<16xf32>,
          %mul3A_423 = arith.constant 16 : i32
          %mul3A_424 = arith.muli %scan3A_133, %mul3A_423 : i32
          %swap3A_425 = arith.constant 28 : i32
          %swap3A_426 = arith.index_cast %swap3A_425 : i32 to index
          %swap3A_427 = arith.index_cast %mul3A_424 : i32 to index
          %swap3A_428 = tpu.vector_load %arg12[%swap3A_426, %swap3A_427] {strides = array<i32>} : memref<32x256xf32, #tpu.memory_space<vmem>>, vector<16xf32>,
          tpu.vector_store %arg12[%swap3A_426, %swap3A_427], %gather3A_422 {strides = array<i32>} : memref<32x256xf32, #tpu.memory_space<vmem>>, vector<16xf32>,
          %add3A_429 = arith.constant 29 : i32
          %add3A_430 = vector.broadcast %add3A_429 : i32 to vector<16xi32>
          %add3A_431 = arith.addi %get3A_140, %add3A_430 : vector<16xi32>
          %gather3A_432 = tpu.vector_load_idx %arg11[%add3A_137, %add3A_431] : memref<256x128xf32, #tpu.memory_space<vmem>>[vector<16xi32>, vector<16xi32>], vector<16xf32>,
          %mul3A_433 = arith.constant 16 : i32
          %mul3A_434 = arith.muli %scan3A_133, %mul3A_433 : i32
          %swap3A_435 = arith.constant 29 : i32
          %swap3A_436 = arith.index_cast %swap3A_435 : i32 to index
          %swap3A_437 = arith.index_cast %mul3A_434 : i32 to index
          %swap3A_438 = tpu.vector_load %arg12[%swap3A_436, %swap3A_437] {strides = array<i32>} : memref<32x256xf32, #tpu.memory_space<vmem>>, vector<16xf32>,
          tpu.vector_store %arg12[%swap3A_436, %swap3A_437], %gather3A_432 {strides = array<i32>} : memref<32x256xf32, #tpu.memory_space<vmem>>, vector<16xf32>,
          %add3A_439 = arith.constant 30 : i32
          %add3A_440 = vector.broadcast %add3A_439 : i32 to vector<16xi32>
          %add3A_441 = arith.addi %get3A_140, %add3A_440 : vector<16xi32>
          %gather3A_442 = tpu.vector_load_idx %arg11[%add3A_137, %add3A_441] : memref<256x128xf32, #tpu.memory_space<vmem>>[vector<16xi32>, vector<16xi32>], vector<16xf32>,
          %mul3A_443 = arith.constant 16 : i32
          %mul3A_444 = arith.muli %scan3A_133, %mul3A_443 : i32
          %swap3A_445 = arith.constant 30 : i32
          %swap3A_446 = arith.index_cast %swap3A_445 : i32 to index
          %swap3A_447 = arith.index_cast %mul3A_444 : i32 to index
          %swap3A_448 = tpu.vector_load %arg12[%swap3A_446, %swap3A_447] {strides = array<i32>} : memref<32x256xf32, #tpu.memory_space<vmem>>, vector<16xf32>,
          tpu.vector_store %arg12[%swap3A_446, %swap3A_447], %gather3A_442 {strides = array<i32>} : memref<32x256xf32, #tpu.memory_space<vmem>>, vector<16xf32>,
          %add3A_449 = arith.constant 31 : i32
          %add3A_450 = vector.broadcast %add3A_449 : i32 to vector<16xi32>
          %add3A_451 = arith.addi %get3A_140, %add3A_450 : vector<16xi32>
          %gather3A_452 = tpu.vector_load_idx %arg11[%add3A_137, %add3A_451] : memref<256x128xf32, #tpu.memory_space<vmem>>[vector<16xi32>, vector<16xi32>], vector<16xf32>,
          %mul3A_453 = arith.constant 16 : i32
          %mul3A_454 = arith.muli %scan3A_133, %mul3A_453 : i32
          %swap3A_455 = arith.constant 31 : i32
          %swap3A_456 = arith.index_cast %swap3A_455 : i32 to index
          %swap3A_457 = arith.index_cast %mul3A_454 : i32 to index
          %swap3A_458 = tpu.vector_load %arg12[%swap3A_456, %swap3A_457] {strides = array<i32>} : memref<32x256xf32, #tpu.memory_space<vmem>>, vector<16xf32>,
          tpu.vector_store %arg12[%swap3A_456, %swap3A_457], %gather3A_452 {strides = array<i32>} : memref<32x256xf32, #tpu.memory_space<vmem>>, vector<16xf32>,
        }
        %scan3A_129 = arith.constant 16 : i32
        %mul3A_130 = arith.constant 256 : i32
        %mul3A_131 = arith.muli %select_n3A_123, %mul3A_130 : i32
        %add3A_132 = arith.addi %mul3A_2, %mul3A_131 : i32
        "tpu.region"() ({
          %run_scoped3A = tpu.sem_alloc : memref<!tpu.dma_semaphore, #tpu.memory_space<semaphore_mem>>
          %dma_start3A_133 = arith.constant 0 : i32
          %dma_start3A_134 = tpu.memref_slice %arg4[%select_n3A_107, %dma_start3A_133, %add3A_132] : memref<50x32x16384xf32, #tpu.memory_space<hbm>> -> memref<1x32x256xf32, #tpu.memory_space<hbm>>
          %dma_start3A_135 = tpu.memref_squeeze %dma_start3A_134 : memref<1x32x256xf32, #tpu.memory_space<hbm>> -> memref<32x256xf32, #tpu.memory_space<hbm>>
          %dma_start3A_136 = arith.constant 0 : i32
          %dma_start3A_137 = tpu.memref_slice %arg4[%select_n3A_107, %dma_start3A_136, %add3A_132] : memref<50x32x16384xf32, #tpu.memory_space<hbm>> -> memref<1x32x256xf32, #tpu.memory_space<hbm>>
          %dma_start3A_138 = tpu.memref_squeeze %dma_start3A_137 : memref<1x32x256xf32, #tpu.memory_space<hbm>> -> memref<32x256xf32, #tpu.memory_space<hbm>>
          tpu.enqueue_dma source(%arg12 : memref<32x256xf32, #tpu.memory_space<vmem>>) target(%dma_start3A_138 : memref<32x256xf32, #tpu.memory_space<hbm>>) target_semaphore(%run_scoped3A : memref<!tpu.dma_semaphore, #tpu.memory_space<semaphore_mem>>)
          %dma_wait3A_139 = arith.constant 0 : i32
          %dma_wait3A_140 = tpu.memref_slice %arg4[%select_n3A_107, %dma_wait3A_139, %add3A_132] : memref<50x32x16384xf32, #tpu.memory_space<hbm>> -> memref<1x32x256xf32, #tpu.memory_space<hbm>>
          %dma_wait3A_141 = tpu.memref_squeeze %dma_wait3A_140 : memref<1x32x256xf32, #tpu.memory_space<hbm>> -> memref<32x256xf32, #tpu.memory_space<hbm>>
          %dma_wait3A_142 = arith.constant 0 : i32
          %dma_wait3A_143 = tpu.memref_slice %arg4[%select_n3A_107, %dma_wait3A_142, %add3A_132] : memref<50x32x16384xf32, #tpu.memory_space<hbm>> -> memref<1x32x256xf32, #tpu.memory_space<hbm>>
          %dma_wait3A_144 = tpu.memref_squeeze %dma_wait3A_143 : memref<1x32x256xf32, #tpu.memory_space<hbm>> -> memref<32x256xf32, #tpu.memory_space<hbm>>
          tpu.wait_dma2 semaphore(%run_scoped3A : memref<!tpu.dma_semaphore, #tpu.memory_space<semaphore_mem>>) src(%arg12 : memref<32x256xf32, #tpu.memory_space<vmem>>) dst(%dma_wait3A_144 : memref<32x256xf32, #tpu.memory_space<hbm>>)
          tpu.yield
        }) : () -> ()
      } else {
      }
    }
    %scan3A_15 = arith.constant 50 : i32
    return
  }
}

</mosaic_0001>

<sc_bundles>
// kernel: _gather_native.3.cloned.1.call-start
scs
__scs_entry_jumppad:
0x0: {  	(pc) =	sbr.rel $0x88, $3  }
0x1: {  	(tag) =	ssettag $0x0;
	lr =	simm.s32 $0x1  }
0x2: {  	[smem:$0x3F9F] =	sst lr;
	_ =	strace $0xD0000000  }
0x3: {  	_ = 	snop  }
0x4: {  	_ = 	snop  }
0x5: {  	_ = 	snop  }
0x6: {  	_ = 	snop  }
0x7: {  	_ = 	snop  }
__scs_overlays_trampoline_lowered:
0x8: {  	[smem:$0x3FAE] =	sst s0  }
0x9: {  	[smem:$0x3FAF] =	sst s1  }
0xa: {  	[smem:$0x3FB0] =	sst s2  }
0xb: {  	[smem:$0x3FB1] =	sst s3  }
0xc: {  	[smem:$0x3FB2] =	sst s4  }
0xd: {  	[smem:$0x3FB3] =	sst s5  }
0xe: {  	[smem:$0x3FB4] =	sst s6  }
0xf: {  	[smem:$0x3FB5] =	sst s7  }
0x10: {  	[smem:$0x3FB6] =	sst s8  }
0x11: {  	[smem:$0x3FB7] =	sst s9;
	s0 =	simm.s32 @!p0 $0x0  }
0x12: {  	s1 =	sld [smem:$0x3F9D];
	s0 =	simm.s32 @p0 $0x1  }
0x13: {  	[smem:$0x3FB8] =	sst s0;
	s0 =	simm.s32 @!p1 $0x0  }
0x14: {  	s2 =	sld [smem:$0x3F9C];
	s0 =	simm.s32 @p1 $0x1  }
0x15: {  	[smem:$0x3FB9] =	sst s0;
	s0 =	simm.s32 @!p2 $0x0  }
0x16: {  	s3 =	sld [smem:$0x3FDB];
	s0 =	simm.s32 @p2 $0x1  }
0x17: {  	s4 =	simm.s32 $0x1BF5;
	[smem:$0x3FBB] =	sst s0  }
0x18: {  	s0 =	sld [smem:$0x3F9E];
	_ =	swait.ge [sflag:s4], $0x0  }
0x19: {  	s7 =	sld [smem:$0x3F9F]  }
0x1a: {  	s8 =	sadd.s32 $0xFFFFE003, lr  }
0x1b: {  	s9 =	sadd.s32 $0xFFFFFEF7, lr;
	s5 =	simm.s32 $0xFFFFFFFF;
	p2 =	slt.u32 s8, $0xFFFFF086  }
0x1c: {  	p1 =	slt.u32 s9, $0xF7A;
	s5 =	simm.s32 @!p2 $0x0  }
0x1d: {  	s5 =	simm.s32 @p1 $0x1;
	p0 =	seq.s32 s7, s2  }
0x1e: {  	s7 =	smul.u32 @!p0 $0xF7A, s2;
	p2 =	seq.s32 @!p0 s5, $0x0  }
0x1f: {  	s9 =	smul.u32 $0xF7A, s1;
	s8 =	simm.s32 @!p0 $0x1BF5;
	p2 =	por !p2, p0  }
0x20: {  	[sflag:s8] =	ssyncset.s32 @!p0 $0xFFFFF086;
	s6 =	sadd.s32 @!p0 s3, s7;
	s7 =	simm.s32 @!p0 $0x108  }
0x21: {  	s3 =	sadd.s32 s3, s9;
	s6 =	sadd.s32 @!p0 $0x88, s6;
	s7 =	simm.s32 @p2 $0x1082  }
0x22: {  	[simem:s7], [sflag:s8] =	dma.local @!p0 [hbm:s6], $0xF7A  }
0x23: {  	s9 =	sor.u32 $0xD0000000, s2;
	s6 =	simm.s32 $0x108;
	_ =	swait.ge @!p0 [sflag:s8], $0x0  }
0x24: {  	s3 =	sadd.s32 $0x88, s3;
	s6 =	simm.s32 @!p1 $0x1082;
	[sflag:s4] =	ssyncset.s32 $0xFFFFF086  }
0x25: {  	[simem:s6], [sflag:s4] =	dma.local [hbm:s3], $0xF7A  }
0x26: {  	[smem:$0x3F9F] =	sst s1;
	(tag) =	ssettag s2;
	_ =	strace s9  }
0x27: {  	s1 =	sld [smem:$0x3FAF]  }
0x28: {  	s2 =	sld [smem:$0x3FB0]  }
0x29: {  	s4 =	sld [smem:$0x3FB2]  }
0x2a: {  	p0 =	seq.s32 s5, $0x0;
	s5 =	sld [smem:$0x3FB3]  }
0x2b: {  	s6 =	sld [smem:$0x3FB4]  }
0x2c: {  	s7 =	sld [smem:$0x3FB5]  }
0x2d: {  	s3 =	simm.s32 $0x108;
	s8 =	sld [smem:$0x3FB6]  }
0x2e: {  	s3 =	simm.s32 @!p0 $0x1082;
	s9 =	sld [smem:$0x3FB7]  }
0x2f: {  	lr =	sadd.s32 s0, s3;
	s0 =	sld [smem:$0x3FAE]  }
0x30: {  	s3 =	sld [smem:$0x3FB1]  }
0x31: {  	[smem:$0x3FBA] =	sst s10  }
0x32: {  	s10 =	sld [smem:$0x3FB8];
	_ =	sdelay $0x3  }
0x33: {  	p0 =	seq.s32 s10, $0x1;
	s10 =	sld [smem:$0x3FBA];
	_ =	sdelay $0x3  }
0x34: {  	[smem:$0x3FBA] =	sst s10  }
0x35: {  	s10 =	sld [smem:$0x3FB9];
	_ =	sdelay $0x3  }
0x36: {  	p1 =	seq.s32 s10, $0x1;
	s10 =	sld [smem:$0x3FBA];
	_ =	sdelay $0x3  }
0x37: {  	[smem:$0x3FBA] =	sst s10  }
0x38: {  	s10 =	sld [smem:$0x3FBB]  }
0x39: {  	_ = 	snop;
	(pc) =	sbr.ind lr, $3  }
0x3a: {  	_ = 	snop  }
0x3b: {  	_ = 	snop  }
0x3c: {  	p2 =	seq.s32 s10, $0x1;
	s10 =	sld [smem:$0x3FBA]  }
0x3d: {  	_ =	shalt  }
0x3e: {  	_ =	shalt  }
0x3f: {  	_ =	shalt  }
0x40: {  	_ =	shalt  }
0x41: {  	_ =	shalt  }
0x42: {  	_ =	shalt  }
0x43: {  	_ =	shalt  }
0x44: {  	_ =	shalt  }
0x45: {  	_ =	shalt  }
0x46: {  	_ =	shalt  }
0x47: {  	_ =	shalt  }
0x48: {  	_ =	shalt  }
0x49: {  	_ =	shalt  }
0x4a: {  	_ =	shalt  }
0x4b: {  	_ =	shalt  }
0x4c: {  	_ =	shalt  }
0x4d: {  	_ =	shalt  }
0x4e: {  	_ =	shalt  }
0x4f: {  	_ =	shalt  }
0x50: {  	_ =	shalt  }
0x51: {  	_ =	shalt  }
0x52: {  	_ =	shalt  }
0x53: {  	_ =	shalt  }
0x54: {  	_ =	shalt  }
0x55: {  	_ =	shalt  }
0x56: {  	_ =	shalt  }
0x57: {  	_ =	shalt  }
0x58: {  	_ =	shalt  }
0x59: {  	_ =	shalt  }
0x5a: {  	_ =	shalt  }
0x5b: {  	_ =	shalt  }
0x5c: {  	_ =	shalt  }
0x5d: {  	_ =	shalt  }
0x5e: {  	_ =	shalt  }
0x5f: {  	_ =	shalt  }
0x60: {  	_ =	shalt  }
0x61: {  	_ =	shalt  }
0x62: {  	_ =	shalt  }
0x63: {  	_ =	shalt  }
0x64: {  	_ =	shalt  }
0x65: {  	_ =	shalt  }
0x66: {  	_ =	shalt  }
0x67: {  	_ =	shalt  }
0x68: {  	_ =	shalt  }
0x69: {  	_ =	shalt  }
0x6a: {  	_ =	shalt  }
0x6b: {  	_ =	shalt  }
0x6c: {  	_ =	shalt  }
0x6d: {  	_ =	shalt  }
0x6e: {  	_ =	shalt  }
0x6f: {  	_ =	shalt  }
0x70: {  	_ =	shalt  }
0x71: {  	_ =	shalt  }
0x72: {  	_ =	shalt  }
0x73: {  	_ =	shalt  }
0x74: {  	_ =	shalt  }
0x75: {  	_ =	shalt  }
0x76: {  	_ =	shalt  }
0x77: {  	_ =	shalt  }
0x78: {  	_ =	shalt  }
0x79: {  	_ =	shalt  }
0x7a: {  	_ =	shalt  }
0x7b: {  	_ =	shalt  }
0x7c: {  	_ =	shalt  }
0x7d: {  	_ =	shalt  }
0x7e: {  	_ =	shalt  }
0x7f: {  	_ =	shalt  }
0x80: {  	_ =	shalt  }
0x81: {  	_ =	shalt  }
0x82: {  	_ =	shalt  }
0x83: {  	_ =	shalt  }
0x84: {  	_ =	shalt  }
0x85: {  	_ =	shalt  }
0x86: {  	_ =	shalt  }
0x87: {  	_ =	shalt  }
.Lfunc_end0:
.L_simem_size_0:
called_computation_lowered:
.L_overlay_start_0:
0x88: {  	s2 =	sld [smem:$0x3FD9]  }
0x89: {  	s3 =	sld [smem:$0x3FFE];
	_ =	sdelay $0x1  }
0x8a: {  	s1 =	srdreg.scid  }
0x8b: {  	s0 =	sand.u32 $0x1, s1  }
0x8c: {  	s18 =	sshll.u32 s0, $0xA;
	s2 =	sadd.s32 s3, s2  }
0x8d: {  	s2 =	sadd.s32 s2, s18  }
0x8e: {  	[smem:$0x3FC6] =	sst s2  }
0x8f: {  	_ = 	snop  }
0x90: {  	s2 =	sld [smem:$0x3FC9]  }
0x91: {  	s19 =	sld [smem:$0x3FC8]  }
0x92: {  	s4 =	sld [smem:$0x3FD0];
	(tm) =	ssettm $0x1  }
0x93: {  	s5 =	sld [smem:$0x3FFB];
	_ =	sdelay $0x3  }
0x94: {  	_ =	strace s5  }
0x95: {  	s5 =	sld [smem:$0x3FFC];
	_ =	sdelay $0x3  }
0x96: {  	_ =	strace s5  }
0x97: {  	s5 =	sld [smem:$0x3FFD];
	_ =	sdelay $0x3  }
0x98: {  	_ =	strace s5  }
0x99: {  	_ =	strace $0x8FFFFFFF  }
0x9a: {  	s20 =	sld [smem:$0x3FDB];
	_ =	sdelay $0x1  }
0x9b: {  	s6 =	simm.s32 $_scs_section_size  }
0x9c: {  	s7 =	simm.s32 $_size__tile_overlayer_lowered;
	s8 =	simm.s32 $_tile_overlayer_lowered  }
0x9d: {  	s23 =	simm.s32 $0x1BFF;
	s22 =	sshll.u32 s8, $0x1;
	s5 =	sadd.s32 s6, s20  }
0x9e: {  	s9 =	simm.s32 $0x0;
	s21 =	sshll.u32 s7, $0x1;
	s7 =	sadd.s32 s22, s5  }
0x9f: {  	[timem:s9], [sflag:s23] =	dma.local [hbm:s7], s21  }
0xa0: {  	_ =	swait.ge [sflag:s23], s21  }
0xa1: {  	s6 =	ssub.s32 $0x0, s21;
	[sflag:s23] =	ssyncset.done $0x0  }
0xa2: {  	[sflag:s23] =	ssyncadd.s32 s6;
	_ =	sdelay $0x1  }
0xa3: {  	s24 =	simm.s32 $0x1B8B  }
0xa4: {  	_ =	swait.ge [sflag:s24], $0x1  }
0xa5: {  	[sflag:s24] =	ssyncset.done $0x0  }
0xa6: {  	s25 =	simm.s32 $0x1B8E;
	[sflag:s24] =	ssyncadd.s32 $0xFFFFFFFF  }
0xa7: {  	s26 =	simm.s32 $execute0_lowered;
	[smem:$0x3FD2] =	sst s25  }
0xa8: {  	s6 =	sshll.u32 s26, $0x1;
	_ =	strace $0x80000046;
	[dreg:$0x1] =	wrdreg $0xFFFFFFFF  }
0xa9: {  	s28 =	simm.s32 $_size_execute0_lowered;
	s5 =	sadd.s32 s5, s6;
	[dreg:$0x0] =	wrdreg $0x0  }
0xaa: {  	s6 =	sshll.u32 s28, $0x1;
	[dreg:$0x2] =	wrdreg s5  }
0xab: {  	[dreg:$0x3] =	wrdreg s6  }
0xac: {  	[dreg:$0x4] =	wrdreg $0xC0  }
0xad: {  	_ =	task [dreg:s9], $0x5FFFF  }
0xae: {  	[dreg:$0x1] =	wrdreg $0xFFFFFFFF  }
0xaf: {  	[dreg:$0x0] =	wrdreg $0x60  }
0xb0: {  	[dreg:$0x2] =	wrdreg s2  }
0xb1: {  	[dreg:$0x3] =	wrdreg s19  }
0xb2: {  	[dreg:$0x4] =	wrdreg s4  }
0xb3: {  	[dreg:$0x5] =	wrdreg $0x9  }
0xb4: {  	_ =	task.clear_ibuf [dreg:s9], $0x6FFFF;
	_ =	strace $0x90000046  }
0xb5: {  	s29 =	simm.s32 $0x9;
	_ =	strace $0x80000048  }
0xb6: {  	_ =	swait.ge [sflag:s29], $0x1  }
0xb7: {  	[sflag:s29] =	ssyncadd.s32 $0xFFFFFFFF  }
0xb8: {  	_ =	strace $0x90000048  }
0xb9: {  	_ =	sfence  }
0xba: {  	s30 =	sld [smem:$0x0];
	_ =	sdelay $0x2  }
0xbb: {  	s31 =	sshll.u32 s1, $0xD;
	s1 =	sshrl.u32 s1, $0x2  }
0xbc: {  	s3 =	sand.u32 $0x4000, s31;
	s1 =	sadd.s32 s1, s30  }
0xbd: {  	s0 =	sor.u32 s3, s0;
	s1 =	sshll.u32 s1, $0x11  }
0xbe: {  	s0 =	sor.u32 s1, s0  }
0xbf: {  	s0 =	sadd.s32 $0x8F2B, s0  }
0xc0: {  	[sflag:s0] =	ssyncadd.remote.s32 $0x1  }
0xc1: {  	_ =	sfence.sel $0xFFFF  }
0xc2: {  	[dreg:$0x0] =	wrdreg $0xFFFFFFFF;
	(pc) =	sbr.abs _section_cstart, $3  }
0xc3: {  	[dreg:$0x1] =	wrdreg $0xFFFFFFFF  }
0xc4: {  	_ =	task.clear_ibuf [dreg:s9], $0x2FFFF;
	_ =	strace $0x9FFFFFFF  }
0xc5: {  	(tm) =	ssettm $0x7FFFFFFF  }
tec
execute0_lowered:
.L_overlay_start_1:
0x0: {  	(tag) =	ssettag $0x1  }
0x1: {  	s1 =	rddreg [dreg:$0x0]  }
0x2: {  	s0 =	rddreg [dreg:$0x1]  }
0x3: {  	s2 =	rddreg [dreg:$0x2]  }
0x4: {  	s3 =	srdreg.scid;
	s5 =	stileid.u32  }
0x5: {  	s9 =	simm.s32 $0x20000;
	s10 =	simm.s32 $0x3;
	s11 =	simm.s32 $0x100  }
0x6: {  	s12 =	simm.s32 $0x7000;
	s13 =	simm.s32 $0x7400;
	s14 =	simm.s32 $0x7100  }
0x7: {  	s15 =	simm.s32 $0xF400;
	s16 =	simm.s32 $0x1;
	s17 =	simm.s32 $0x800  }
0x8: {  	s18 =	simm.s32 $0x17400;
	s19 =	simm.s32 $0x4;
	s20 =	simm.s32 $0x2  }
0x9: {  	s21 =	simm.s32 $0x0;
	s4 =	sand.u32 $0x1, s3;
	s3 =	simm.s32 $0x0  }
0xa: {  	s5 =	sshll.u32 s5, $0xA;
	s6 =	sshll.u32 s4, $0x9;
	s7 =	ssub.s32 $0x2, s4  }
0xb: {  	[smem:$0x7FF] =	sst s3;
	s5 =	sor.u32 s6, s5;
	s30 =	sshrl.u32 s7, $0x1  }
0xc: {  	v0 =	vlaneseq.u32;
	_ =	strace $0x80000047;
	s4 =	sadd.s32 s2, s5;
	s31 =	ssub.s32 s7, s30  }
0xd: {  	v0 =	vmul.u32 $0x80, v0;
	s5 =	sadd.s32 s0, s5;
	s6 =	sadd.s32 $0x100, s4;
	s7 =	smax.u32 s31, $0x1  }
.LBB2_1:
0xe: {  	s0 =	simm.s32 $0x1000  }
0xf: {  	[tilespmem:s3], [sflag:$0x3] =	stream.strided.gather [hbm4b:s5+s0], $0x7000, s9, s0, $0x38;
	[tilespmem:$0x19400] =	vst v63  }
0x10: {  	s29 =	sand.u32 $0x1000, s3;
	_ =	swait.ge [sflag:s10], $0x7000  }
0x11: {  	s2 =	sand.u32 $0x70, s3;
	s0 =	sshrl.u32 s29, $0x2;
	[sflag:s10] =	ssyncset.done $0x0  }
0x12: {  	s0 =	sor.u32 s2, s0;
	[sflag:s10] =	ssyncadd.s32 $0xFFFF9000  }
0x13: {  	v1 =	vld [tilespmem:s0+$0x0];
	_ =	sdelay $0x3  }
0x14: {  	s22 =	simm.s32 $0x7200;
	s30 =	simm.s32 $0x10;
	s24 =	simm.s32 $0x200  }
0x15: {  	s26 =	simm.s32 $0x20;
	s23 =	simm.s32 $0x7210;
	s31 =	sand.u32 $0x1000, s24;
	v2 =	vshrl.u32 v1, $0x2;
	v1 =	vshll.u32 v1, $0x5  }
0x16: {  	s25 =	simm.s32 $0x7000;
	s28 =	sand.u32 $0x70, s30;
	s0 =	sshrl.u32 s31, $0x2;
	[tilespmem:s12+$0x0] =	vst v2;
	v1 =	vand.u32 $0x60, v1  }
.LBB2_2:
0x17: {  	s0 =	sor.u32 s28, s0;
	s25 =	sadd.s32 $0x10, s25  }
0x18: {  	[tilespmem:s22+$0x0] =	vst v1;
	s2 =	smov.u32 s26;
	s29 =	sadd.s32 $0x10, s26;
	s22 =	smov.u32 s23  }
0x19: {  	p0 =	sne.s32 s26, $0xF0;
	v1 =	vld [tilespmem:s0+$0x0];
	_ =	sdelay $0x1  }
.Ltmp0:
0x1a: {  	(pc) =	sbr.rel @p0 .LBB2_2-.Ltmp0, $4  }
0x1b: {  	_ = 	snop  }
0x1c: {  	s24 =	sadd.s32 $0x200, s24  }
0x1d: {  	s23 =	sadd.s32 $0x10, s23;
	s0 =	sand.u32 $0x1000, s24;
	v2 =	vshrl.u32 v1, $0x2;
	v1 =	vshll.u32 v1, $0x5  }
0x1e: {  	s28 =	sand.u32 $0x70, s2;
	s26 =	smov.u32 s29;
	s0 =	sshrl.u32 s0, $0x2;
	[tilespmem:s25+$0x0] =	vst v2;
	v1 =	vand.u32 $0x60, v1  }
0x1f: {  	s0 =	sor.u32 s28, s0;
	[tilespmem:s22+$0x0] =	vst v1  }
0x20: {  	v1 =	vld [tilespmem:s0+$0x0];
	_ =	sdelay $0x4  }
0x21: {  	s31 =	sadd.s32 $0x10, s25;
	v2 =	vshrl.u32 v1, $0x2;
	v1 =	vshll.u32 v1, $0x5  }
0x22: {  	[tilespmem:s31+$0x0] =	vst v2;
	v1 =	vand.u32 $0x60, v1  }
0x23: {  	s22 =	simm.s32 $0x0;
	[tilespmem:s23+$0x0] =	vst v1;
	s23 =	simm.s32 $0x0  }
0x24: {  	[tilespmem:s13], [sflag:$0x1] =	stream.indirect.gather [hbm4b:s1+s11], $0x80, s12, s11, $0xb8;
	[tilespmem:$0x19400] =	vst v63  }
.LBB2_4:
0x25: {  	s0 =	sshll.u32 s23, $0x9  }
0x26: {  	s26 =	sshll.u32 s23, $0x7;
	s2 =	sand.u32 $0x400, s22;
	s24 =	sand.u32 $0x7000, s0  }
0x27: {  	s25 =	sand.u32 $0x380, s26;
	s8 =	sadd.s32 s2, s24  }
0x28: {  	s26 =	sand.u32 $0x70, s22;
	s0 =	sadd.s32 s25, s8  }
0x29: {  	s0 =	sadd.s32 s26, s0  }
0x2a: {  	v1 =	vld [tilespmem:s0+$0x800];
	_ =	sdelay $0x2  }
0x2b: {  	s28 =	simm.s32 $0x80  }
0x2c: {  	s29 =	simm.s32 $0x7300;
	s31 =	simm.s32 $0x20;
	s2 =	sand.u32 $0x400, s28  }
0x2d: {  	s8 =	simm.s32 $0x10;
	s30 =	sadd.s32 s2, s24;
	s26 =	simm.s32 $0x7100;
	v2 =	vshrl.u32 v1, $0x2;
	v1 =	vshll.u32 v1, $0x5  }
0x2e: {  	s2 =	sadd.s32 s25, s30;
	s30 =	simm.s32 $0x7310;
	s0 =	sand.u32 $0x70, s8;
	[tilespmem:s26+$0x0] =	vst v2;
	v1 =	vand.u32 $0x60, v1  }
.LBB2_5:
0x2f: {  	s0 =	sadd.s32 s0, s2;
	s26 =	sadd.s32 $0x10, s26  }
0x30: {  	[tilespmem:s29+$0x0] =	vst v1;
	s2 =	smov.u32 s31;
	s8 =	sadd.s32 $0x10, s31;
	s29 =	smov.u32 s30  }
0x31: {  	p0 =	sne.s32 s31, $0xF0;
	v1 =	vld [tilespmem:s0+$0x800];
	_ =	sdelay $0x1  }
.Ltmp1:
0x32: {  	(pc) =	sbr.rel @p0 .LBB2_5-.Ltmp1, $4  }
0x33: {  	s28 =	sadd.s32 $0x80, s28  }
0x34: {  	s0 =	sand.u32 $0x400, s28  }
0x35: {  	s30 =	sadd.s32 $0x10, s30;
	s31 =	sadd.s32 s0, s24;
	v2 =	vshrl.u32 v1, $0x2;
	v1 =	vshll.u32 v1, $0x5  }
0x36: {  	s0 =	sand.u32 $0x70, s2;
	s2 =	sadd.s32 s25, s31;
	s31 =	smov.u32 s8;
	[tilespmem:s26+$0x0] =	vst v2;
	v1 =	vand.u32 $0x60, v1  }
0x37: {  	s0 =	sadd.s32 s0, s2;
	[tilespmem:s29+$0x0] =	vst v1  }
0x38: {  	v1 =	vld [tilespmem:s0+$0x800];
	_ =	sdelay $0x4  }
0x39: {  	s26 =	sadd.s32 $0x10, s26;
	v2 =	vshrl.u32 v1, $0x2;
	v1 =	vshll.u32 v1, $0x5  }
0x3a: {  	[tilespmem:s26+$0x0] =	vst v2;
	v1 =	vand.u32 $0x60, v1  }
0x3b: {  	[tilespmem:s30+$0x0] =	vst v1  }
0x3c: {  	[tilespmem:s15], [sflag:$0x2] =	stream.indirect.gather [hbm4b:s1+s11], $0x80, s14, s11, $0xb8;
	[tilespmem:$0x19400] =	vst v63  }
0x3d: {  	_ =	swait.ge [sflag:s16], $0x8000  }
0x3e: {  	[sflag:s16] =	ssyncset.done $0x0  }
0x3f: {  	s24 =	simm.s32 $0x7200;
	[sflag:s16] =	ssyncadd.s32 $0xFFFF8000  }
0x40: {  	v1 =	vld [tilespmem:s24+$0x0];
	_ =	sdelay $0x1  }
0x41: {  	s25 =	simm.s32 $0x0  }
0x42: {  	v2 =	vmov s25  }
0x43: {  	v2 =	vshll.u32 v2, $0x7  }
0x44: {  	v2 =	vor.u32 v0, v2;
	v3 =	vand.u32 $0xFFFFFF80, v1  }
0x45: {  	v4 =	vand.u32 $0x7F, v1;
	v3 =	vadd.s32 v2, v3  }
0x46: {  	v3 =	vor.u32 v4, v3;
	_ =	sdelay $0x2  }
0x47: {  	v46 =	vadd.s32 $0x1, v1  }
0x48: {  	v5 =	vand.u32 $0xFFFFFF80, v46  }
0x49: {  	v5 =	vadd.s32 v2, v5;
	v4 =	vand.u32 $0x7F, v46;
	v3 =	vld.idx.msk [tilespmem:v3+s13+$0x0], $0xffff  }
0x4a: {  	v4 =	vor.u32 v4, v5;
	_ =	sdelay $0x1  }
0x4b: {  	s29 =	sand.u32 $0x70, s25;
	s30 =	sand.u32 $0x400, s25  }
0x4c: {  	s26 =	sor.u32 s29, s30;
	v47 =	vadd.s32 $0x2, v1  }
0x4d: {  	v6 =	vand.u32 $0xFFFFFF80, v47;
	[tilespmem:s26+$0x17400] =	vst v3  }
0x4e: {  	v5 =	vand.u32 $0x7F, v47;
	v3 =	vadd.s32 v2, v6;
	v4 =	vld.idx.msk [tilespmem:v4+s13+$0x0], $0xffff  }
0x4f: {  	v3 =	vor.u32 v5, v3;
	_ =	sdelay $0x2  }
0x50: {  	s0 =	sadd.s32 $0x17400, s26;
	v48 =	vadd.s32 $0x3, v1  }
0x51: {  	v49 =	vand.u32 $0xFFFFFF80, v48;
	[tilespmem:s0+$0x80] =	vst v4  }
0x52: {  	v50 =	vadd.s32 v2, v49;
	v5 =	vand.u32 $0x7F, v48;
	v3 =	vld.idx.msk [tilespmem:v3+s13+$0x0], $0xffff  }
0x53: {  	v4 =	vor.u32 v5, v50;
	_ =	sdelay $0x2  }
0x54: {  	v51 =	vadd.s32 $0x4, v1  }
0x55: {  	v52 =	vand.u32 $0xFFFFFF80, v51;
	[tilespmem:s0+$0x100] =	vst v3  }
0x56: {  	v5 =	vand.u32 $0x7F, v51;
	v3 =	vadd.s32 v2, v52;
	v4 =	vld.idx.msk [tilespmem:v4+s13+$0x0], $0xffff  }
0x57: {  	v3 =	vor.u32 v5, v3;
	_ =	sdelay $0x2  }
0x58: {  	v53 =	vadd.s32 $0x5, v1  }
0x59: {  	v54 =	vand.u32 $0xFFFFFF80, v53;
	[tilespmem:s0+$0x180] =	vst v4  }
0x5a: {  	v55 =	vadd.s32 v2, v54;
	v5 =	vand.u32 $0x7F, v53;
	v3 =	vld.idx.msk [tilespmem:v3+s13+$0x0], $0xffff  }
0x5b: {  	v4 =	vor.u32 v5, v55;
	_ =	sdelay $0x2  }
0x5c: {  	v56 =	vadd.s32 $0x6, v1  }
0x5d: {  	v57 =	vand.u32 $0xFFFFFF80, v56;
	[tilespmem:s0+$0x200] =	vst v3  }
0x5e: {  	v5 =	vand.u32 $0x7F, v56;
	v3 =	vadd.s32 v2, v57;
	v4 =	vld.idx.msk [tilespmem:v4+s13+$0x0], $0xffff  }
0x5f: {  	v3 =	vor.u32 v5, v3;
	_ =	sdelay $0x2  }
0x60: {  	v58 =	vadd.s32 $0x7, v1  }
0x61: {  	v59 =	vand.u32 $0xFFFFFF80, v58;
	[tilespmem:s0+$0x280] =	vst v4  }
0x62: {  	v60 =	vadd.s32 v2, v59;
	v5 =	vand.u32 $0x7F, v58;
	v3 =	vld.idx.msk [tilespmem:v3+s13+$0x0], $0xffff  }
0x63: {  	v4 =	vor.u32 v5, v60;
	_ =	sdelay $0x2  }
0x64: {  	v61 =	vadd.s32 $0x8, v1  }
0x65: {  	v62 =	vand.u32 $0xFFFFFF80, v61;
	[tilespmem:s0+$0x300] =	vst v3  }
0x66: {  	v5 =	vand.u32 $0x7F, v61;
	v3 =	vadd.s32 v2, v62;
	v4 =	vld.idx.msk [tilespmem:v4+s13+$0x0], $0xffff  }
0x67: {  	v3 =	vor.u32 v5, v3;
	_ =	sdelay $0x1  }
0x68: {  	s31 =	sor.u32 s25, s25  }
0x69: {  	v63 =	vadd.s32 $0x9, v1;
	s0 =	sor.u32 $0x380, s31  }
0x6a: {  	v9 =	vand.u32 $0xFFFFFF80, v63;
	[tilespmem:s0+$0x17400] =	vst v4  }
0x6b: {  	v10 =	vadd.s32 v2, v9;
	v5 =	vand.u32 $0x7F, v63;
	v3 =	vld.idx.msk [tilespmem:v3+s13+$0x0], $0xffff  }
0x6c: {  	v4 =	vor.u32 v5, v10;
	_ =	sdelay $0x2  }
0x6d: {  	v11 =	vadd.s32 $0xA, v1  }
0x6e: {  	v12 =	vand.u32 $0xFFFFFF80, v11;
	[tilespmem:s26+$0x17C00] =	vst v3  }
0x6f: {  	v5 =	vand.u32 $0x7F, v11;
	v3 =	vadd.s32 v2, v12;
	v4 =	vld.idx.msk [tilespmem:v4+s13+$0x0], $0xffff  }
0x70: {  	v3 =	vor.u32 v5, v3;
	_ =	sdelay $0x2  }
0x71: {  	v13 =	vadd.s32 $0xB, v1  }
0x72: {  	v14 =	vand.u32 $0xFFFFFF80, v13;
	[tilespmem:s26+$0x17C80] =	vst v4  }
0x73: {  	v15 =	vadd.s32 v2, v14;
	v5 =	vand.u32 $0x7F, v13;
	v3 =	vld.idx.msk [tilespmem:v3+s13+$0x0], $0xffff  }
0x74: {  	v4 =	vor.u32 v5, v15;
	_ =	sdelay $0x2  }
0x75: {  	v16 =	vadd.s32 $0xC, v1  }
0x76: {  	v17 =	vand.u32 $0xFFFFFF80, v16;
	[tilespmem:s26+$0x17D00] =	vst v3  }
0x77: {  	v5 =	vand.u32 $0x7F, v16;
	v3 =	vadd.s32 v2, v17;
	v4 =	vld.idx.msk [tilespmem:v4+s13+$0x0], $0xffff  }
0x78: {  	v3 =	vor.u32 v5, v3;
	_ =	sdelay $0x2  }
0x79: {  	v18 =	vadd.s32 $0xD, v1  }
0x7a: {  	v19 =	vand.u32 $0xFFFFFF80, v18;
	[tilespmem:s26+$0x17D80] =	vst v4  }
0x7b: {  	v20 =	vadd.s32 v2, v19;
	v5 =	vand.u32 $0x7F, v18;
	v3 =	vld.idx.msk [tilespmem:v3+s13+$0x0], $0xffff  }
0x7c: {  	v4 =	vor.u32 v5, v20;
	_ =	sdelay $0x2  }
0x7d: {  	v21 =	vadd.s32 $0xE, v1  }
0x7e: {  	v22 =	vand.u32 $0xFFFFFF80, v21;
	[tilespmem:s26+$0x17E00] =	vst v3  }
0x7f: {  	v5 =	vand.u32 $0x7F, v21;
	v3 =	vadd.s32 v2, v22;
	v4 =	vld.idx.msk [tilespmem:v4+s13+$0x0], $0xffff  }
0x80: {  	v3 =	vor.u32 v5, v3;
	_ =	sdelay $0x2  }
0x81: {  	v23 =	vadd.s32 $0xF, v1  }
0x82: {  	v24 =	vand.u32 $0xFFFFFF80, v23;
	[tilespmem:s26+$0x17E80] =	vst v4  }
0x83: {  	v25 =	vadd.s32 v2, v24;
	v5 =	vand.u32 $0x7F, v23;
	v3 =	vld.idx.msk [tilespmem:v3+s13+$0x0], $0xffff  }
0x84: {  	v4 =	vor.u32 v5, v25;
	_ =	sdelay $0x2  }
0x85: {  	v26 =	vadd.s32 $0x10, v1  }
0x86: {  	v27 =	vand.u32 $0xFFFFFF80, v26;
	[tilespmem:s26+$0x17F00] =	vst v3  }
0x87: {  	v5 =	vand.u32 $0x7F, v26;
	v3 =	vadd.s32 v2, v27;
	v4 =	vld.idx.msk [tilespmem:v4+s13+$0x0], $0xffff  }
0x88: {  	v3 =	vor.u32 v5, v3;
	_ =	sdelay $0x2  }
0x89: {  	v28 =	vadd.s32 $0x11, v1  }
0x8a: {  	v29 =	vand.u32 $0xFFFFFF80, v28;
	[tilespmem:s26+$0x17F80] =	vst v4  }
0x8b: {  	v30 =	vadd.s32 v2, v29;
	v5 =	vand.u32 $0x7F, v28;
	v3 =	vld.idx.msk [tilespmem:v3+s13+$0x0], $0xffff  }
0x8c: {  	v4 =	vor.u32 v5, v30;
	_ =	sdelay $0x2  }
0x8d: {  	v31 =	vadd.s32 $0x12, v1  }
0x8e: {  	v32 =	vand.u32 $0xFFFFFF80, v31;
	[tilespmem:s26+$0x18400] =	vst v3  }
0x8f: {  	v5 =	vand.u32 $0x7F, v31;
	v3 =	vadd.s32 v2, v32;
	v4 =	vld.idx.msk [tilespmem:v4+s13+$0x0], $0xffff  }
0x90: {  	v3 =	vor.u32 v5, v3;
	_ =	sdelay $0x2  }
0x91: {  	v33 =	vadd.s32 $0x13, v1  }
0x92: {  	v34 =	vand.u32 $0xFFFFFF80, v33;
	[tilespmem:s26+$0x18480] =	vst v4  }
0x93: {  	v35 =	vadd.s32 v2, v34;
	v5 =	vand.u32 $0x7F, v33;
	v3 =	vld.idx.msk [tilespmem:v3+s13+$0x0], $0xffff  }
0x94: {  	v4 =	vor.u32 v5, v35;
	_ =	sdelay $0x2  }
0x95: {  	v36 =	vadd.s32 $0x14, v1  }
0x96: {  	v37 =	vand.u32 $0xFFFFFF80, v36;
	[tilespmem:s26+$0x18500] =	vst v3  }
0x97: {  	v5 =	vand.u32 $0x7F, v36;
	v3 =	vadd.s32 v2, v37;
	v4 =	vld.idx.msk [tilespmem:v4+s13+$0x0], $0xffff  }
0x98: {  	v3 =	vor.u32 v5, v3;
	_ =	sdelay $0x2  }
0x99: {  	v38 =	vadd.s32 $0x15, v1  }
0x9a: {  	v39 =	vand.u32 $0xFFFFFF80, v38;
	[tilespmem:s26+$0x18580] =	vst v4  }
0x9b: {  	v40 =	vadd.s32 v2, v39;
	v5 =	vand.u32 $0x7F, v38;
	v3 =	vld.idx.msk [tilespmem:v3+s13+$0x0], $0xffff  }
0x9c: {  	v4 =	vor.u32 v5, v40;
	_ =	sdelay $0x2  }
0x9d: {  	v41 =	vadd.s32 $0x16, v1  }
0x9e: {  	v42 =	vand.u32 $0xFFFFFF80, v41;
	[tilespmem:s26+$0x18600] =	vst v3  }
0x9f: {  	v5 =	vand.u32 $0x7F, v41;
	v3 =	vadd.s32 v2, v42;
	v4 =	vld.idx.msk [tilespmem:v4+s13+$0x0], $0xffff  }
0xa0: {  	v3 =	vor.u32 v5, v3;
	_ =	sdelay $0x2  }
0xa1: {  	v43 =	vadd.s32 $0x17, v1  }
0xa2: {  	v44 =	vand.u32 $0xFFFFFF80, v43;
	[tilespmem:s26+$0x18680] =	vst v4  }
0xa3: {  	v45 =	vadd.s32 v2, v44;
	v5 =	vand.u32 $0x7F, v43;
	v3 =	vld.idx.msk [tilespmem:v3+s13+$0x0], $0xffff  }
0xa4: {  	v4 =	vor.u32 v5, v45;
	_ =	sdelay $0x2  }
0xa5: {  	v46 =	vadd.s32 $0x18, v1  }
0xa6: {  	v47 =	vand.u32 $0xFFFFFF80, v46;
	[tilespmem:s26+$0x18700] =	vst v3  }
0xa7: {  	v5 =	vand.u32 $0x7F, v46;
	v3 =	vadd.s32 v2, v47;
	v4 =	vld.idx.msk [tilespmem:v4+s13+$0x0], $0xffff  }
0xa8: {  	v3 =	vor.u32 v5, v3;
	_ =	sdelay $0x2  }
0xa9: {  	v48 =	vadd.s32 $0x19, v1  }
0xaa: {  	v49 =	vand.u32 $0xFFFFFF80, v48;
	[tilespmem:s26+$0x18780] =	vst v4  }
0xab: {  	v50 =	vadd.s32 v2, v49;
	v5 =	vand.u32 $0x7F, v48;
	v3 =	vld.idx.msk [tilespmem:v3+s13+$0x0], $0xffff  }
0xac: {  	v4 =	vor.u32 v5, v50;
	_ =	sdelay $0x2  }
0xad: {  	v51 =	vadd.s32 $0x1A, v1  }
0xae: {  	v52 =	vand.u32 $0xFFFFFF80, v51;
	[tilespmem:s26+$0x18C00] =	vst v3  }
0xaf: {  	v5 =	vand.u32 $0x7F, v51;
	v3 =	vadd.s32 v2, v52;
	v4 =	vld.idx.msk [tilespmem:v4+s13+$0x0], $0xffff  }
0xb0: {  	v3 =	vor.u32 v5, v3;
	_ =	sdelay $0x2  }
0xb1: {  	v53 =	vadd.s32 $0x1B, v1  }
0xb2: {  	v54 =	vand.u32 $0xFFFFFF80, v53;
	[tilespmem:s26+$0x18C80] =	vst v4  }
0xb3: {  	v55 =	vadd.s32 v2, v54;
	v5 =	vand.u32 $0x7F, v53;
	v3 =	vld.idx.msk [tilespmem:v3+s13+$0x0], $0xffff  }
0xb4: {  	v4 =	vor.u32 v5, v55;
	_ =	sdelay $0x2  }
0xb5: {  	v56 =	vadd.s32 $0x1C, v1  }
0xb6: {  	v57 =	vand.u32 $0xFFFFFF80, v56;
	[tilespmem:s26+$0x18D00] =	vst v3  }
0xb7: {  	v5 =	vand.u32 $0x7F, v56;
	v3 =	vadd.s32 v2, v57;
	v4 =	vld.idx.msk [tilespmem:v4+s13+$0x0], $0xffff  }
0xb8: {  	v3 =	vor.u32 v5, v3;
	_ =	sdelay $0x2  }
0xb9: {  	v58 =	vadd.s32 $0x1D, v1  }
0xba: {  	v59 =	vand.u32 $0xFFFFFF80, v58;
	[tilespmem:s26+$0x18D80] =	vst v4  }
0xbb: {  	v60 =	vadd.s32 v2, v59;
	v5 =	vand.u32 $0x7F, v58;
	v3 =	vld.idx.msk [tilespmem:v3+s13+$0x0], $0xffff  }
0xbc: {  	v4 =	vor.u32 v5, v60;
	_ =	sdelay $0x2  }
0xbd: {  	v61 =	vadd.s32 $0x1E, v1  }
0xbe: {  	v62 =	vand.u32 $0xFFFFFF80, v61;
	[tilespmem:s26+$0x18E00] =	vst v3  }
0xbf: {  	v5 =	vand.u32 $0x7F, v61;
	v3 =	vadd.s32 v2, v62;
	v4 =	vld.idx.msk [tilespmem:v4+s13+$0x0], $0xffff  }
0xc0: {  	v3 =	vor.u32 v5, v3;
	_ =	sdelay $0x2  }
0xc1: {  	v1 =	vadd.s32 $0x1F, v1  }
0xc2: {  	v63 =	vand.u32 $0xFFFFFF80, v1;
	[tilespmem:s26+$0x18E80] =	vst v4  }
0xc3: {  	v1 =	vand.u32 $0x7F, v1;
	v2 =	vadd.s32 v2, v63;
	v3 =	vld.idx.msk [tilespmem:v3+s13+$0x0], $0xffff  }
0xc4: {  	v1 =	vor.u32 v1, v2;
	_ =	sdelay $0x3  }
0xc5: {  	[tilespmem:s26+$0x18F00] =	vst v3  }
0xc6: {  	s28 =	simm.s32 $0x10;
	v1 =	vld.idx.msk [tilespmem:v1+s13+$0x0], $0xffff  }
.LBB2_7:
0xc7: {  	_ =	sdelay $0x3  }
0xc8: {  	p0 =	sne.s32 s28, $0xF0;
	s25 =	sadd.s32 $0x80, s25;
	s24 =	sadd.s32 $0x10, s24;
	[tilespmem:s26+$0x18F80] =	vst v1  }
0xc9: {  	s29 =	smov.u32 s28;
	s28 =	sadd.s32 $0x10, s28;
	v1 =	vld [tilespmem:s24+$0x0];
	_ =	sdelay $0x2  }
0xca: {  	v2 =	vmov s29  }
0xcb: {  	v2 =	vshll.u32 v2, $0x7  }
0xcc: {  	v2 =	vor.u32 v0, v2;
	v3 =	vand.u32 $0xFFFFFF80, v1;
	v4 =	vadd.s32 $0x1, v1  }
0xcd: {  	v5 =	vand.u32 $0x7F, v1;
	v3 =	vadd.s32 v2, v3;
	v6 =	vand.u32 $0xFFFFFF80, v4  }
0xce: {  	v3 =	vor.u32 v5, v3;
	v5 =	vadd.s32 v2, v6;
	v6 =	vadd.s32 $0x2, v1  }
0xcf: {  	v8 =	vadd.s32 $0x3, v1;
	v10 =	vadd.s32 $0x4, v1;
	v7 =	vand.u32 $0xFFFFFF80, v6  }
0xd0: {  	v9 =	vand.u32 $0xFFFFFF80, v8;
	v11 =	vand.u32 $0xFFFFFF80, v10;
	v7 =	vadd.s32 v2, v7  }
0xd1: {  	v53 =	vadd.s32 $0x5, v1;
	v9 =	vadd.s32 v2, v9;
	v11 =	vadd.s32 v2, v11  }
0xd2: {  	v51 =	vadd.s32 $0x6, v1;
	v47 =	vadd.s32 $0x7, v1;
	v12 =	vand.u32 $0xFFFFFF80, v53  }
0xd3: {  	v13 =	vand.u32 $0xFFFFFF80, v47;
	v54 =	vadd.s32 v2, v12;
	v12 =	vand.u32 $0xFFFFFF80, v51;
	v3 =	vld.idx.msk [tilespmem:v3+s13+$0x0], $0xffff  }
0xd4: {  	v4 =	vand.u32 $0x7F, v4;
	v49 =	vadd.s32 v2, v13;
	v52 =	vadd.s32 v2, v12  }
0xd5: {  	v48 =	vadd.s32 $0x8, v1;
	v44 =	vadd.s32 $0x9, v1;
	v4 =	vor.u32 v4, v5  }
0xd6: {  	v42 =	vadd.s32 $0xA, v1;
	v5 =	vand.u32 $0xFFFFFF80, v48;
	v12 =	vand.u32 $0xFFFFFF80, v44  }
0xd7: {  	s0 =	sand.u32 $0x70, s29;
	s2 =	sand.u32 $0x400, s25;
	v50 =	vadd.s32 v2, v5;
	v46 =	vadd.s32 v2, v12;
	v5 =	vand.u32 $0xFFFFFF80, v42  }
0xd8: {  	s26 =	sor.u32 s0, s2;
	v41 =	vadd.s32 $0xB, v1;
	v38 =	vadd.s32 $0xC, v1;
	v45 =	vadd.s32 v2, v5  }
0xd9: {  	v36 =	vadd.s32 $0xD, v1;
	v5 =	vand.u32 $0xFFFFFF80, v38;
	[tilespmem:s26+$0x17400] =	vst v3;
	v3 =	vand.u32 $0xFFFFFF80, v41  }
0xda: {  	v40 =	vadd.s32 v2, v5;
	v4 =	vld.idx.msk [tilespmem:v4+s13+$0x0], $0xffff;
	v43 =	vadd.s32 v2, v3;
	v3 =	vand.u32 $0xFFFFFF80, v36  }
0xdb: {  	v35 =	vadd.s32 $0xE, v1;
	v5 =	vand.u32 $0x7F, v6;
	v39 =	vadd.s32 v2, v3  }
0xdc: {  	v33 =	vadd.s32 $0xF, v1;
	v3 =	vor.u32 v5, v7;
	v5 =	vand.u32 $0xFFFFFF80, v35  }
0xdd: {  	v31 =	vadd.s32 $0x10, v1;
	v37 =	vadd.s32 v2, v5;
	v5 =	vand.u32 $0xFFFFFF80, v33  }
0xde: {  	v28 =	vadd.s32 $0x11, v1;
	v34 =	vadd.s32 v2, v5;
	v5 =	vand.u32 $0xFFFFFF80, v31  }
0xdf: {  	s30 =	sadd.s32 $0x17400, s26;
	v26 =	vadd.s32 $0x12, v1;
	v32 =	vadd.s32 v2, v5;
	v5 =	vand.u32 $0xFFFFFF80, v28  }
0xe0: {  	v25 =	vadd.s32 $0x13, v1;
	v30 =	vadd.s32 v2, v5;
	[tilespmem:s30+$0x80] =	vst v4;
	v4 =	vand.u32 $0xFFFFFF80, v26  }
0xe1: {  	v22 =	vadd.s32 $0x14, v1;
	v3 =	vld.idx.msk [tilespmem:v3+s13+$0x0], $0xffff;
	v29 =	vadd.s32 v2, v4;
	v4 =	vand.u32 $0xFFFFFF80, v25  }
0xe2: {  	v5 =	vand.u32 $0x7F, v8;
	v27 =	vadd.s32 v2, v4;
	v4 =	vand.u32 $0xFFFFFF80, v22  }
0xe3: {  	v21 =	vadd.s32 $0x15, v1;
	v5 =	vor.u32 v5, v9;
	v24 =	vadd.s32 v2, v4  }
0xe4: {  	v19 =	vadd.s32 $0x16, v1;
	v16 =	vadd.s32 $0x17, v1;
	v4 =	vand.u32 $0xFFFFFF80, v21  }
0xe5: {  	v6 =	vand.u32 $0xFFFFFF80, v16;
	v23 =	vadd.s32 v2, v4;
	v4 =	vand.u32 $0xFFFFFF80, v19  }
0xe6: {  	v14 =	vadd.s32 $0x18, v1;
	v18 =	vadd.s32 v2, v6;
	v20 =	vadd.s32 v2, v4  }
0xe7: {  	v13 =	vadd.s32 $0x19, v1;
	v9 =	vadd.s32 $0x1A, v1;
	[tilespmem:s30+$0x100] =	vst v3;
	v3 =	vand.u32 $0xFFFFFF80, v14  }
0xe8: {  	v4 =	vand.u32 $0xFFFFFF80, v9;
	v5 =	vld.idx.msk [tilespmem:v5+s13+$0x0], $0xffff;
	v17 =	vadd.s32 v2, v3;
	v3 =	vand.u32 $0xFFFFFF80, v13  }
0xe9: {  	v6 =	vand.u32 $0x7F, v10;
	v12 =	vadd.s32 v2, v4;
	v15 =	vadd.s32 v2, v3  }
0xea: {  	v10 =	vadd.s32 $0x1B, v1;
	v55 =	vor.u32 v6, v11;
	v7 =	vadd.s32 $0x1C, v1  }
0xeb: {  	v6 =	vand.u32 $0xFFFFFF80, v7;
	v4 =	vadd.s32 $0x1D, v1;
	v3 =	vand.u32 $0xFFFFFF80, v10  }
0xec: {  	v8 =	vadd.s32 v2, v6;
	v11 =	vadd.s32 v2, v3;
	v3 =	vand.u32 $0xFFFFFF80, v4  }
0xed: {  	v6 =	vadd.s32 v2, v3;
	v3 =	vadd.s32 $0x1E, v1;
	v1 =	vadd.s32 $0x1F, v1  }
0xee: {  	v56 =	vand.u32 $0xFFFFFF80, v1;
	[tilespmem:s30+$0x180] =	vst v5;
	v5 =	vand.u32 $0xFFFFFF80, v3  }
0xef: {  	v55 =	vld.idx.msk [tilespmem:v55+s13+$0x0], $0xffff;
	v5 =	vadd.s32 v2, v5;
	v2 =	vadd.s32 v2, v56  }
0xf0: {  	v53 =	vand.u32 $0x7F, v53  }
0xf1: {  	v53 =	vor.u32 v53, v54;
	_ =	sdelay $0x3  }
0xf2: {  	[tilespmem:s30+$0x200] =	vst v55  }
0xf3: {  	v53 =	vld.idx.msk [tilespmem:v53+s13+$0x0], $0xffff  }
0xf4: {  	v51 =	vand.u32 $0x7F, v51  }
0xf5: {  	v51 =	vor.u32 v51, v52;
	_ =	sdelay $0x3  }
0xf6: {  	[tilespmem:s30+$0x280] =	vst v53  }
0xf7: {  	v51 =	vld.idx.msk [tilespmem:v51+s13+$0x0], $0xffff  }
0xf8: {  	v47 =	vand.u32 $0x7F, v47  }
0xf9: {  	v47 =	vor.u32 v47, v49;
	_ =	sdelay $0x3  }
0xfa: {  	[tilespmem:s30+$0x300] =	vst v51  }
0xfb: {  	v47 =	vld.idx.msk [tilespmem:v47+s13+$0x0], $0xffff  }
0xfc: {  	v48 =	vand.u32 $0x7F, v48  }
0xfd: {  	v48 =	vor.u32 v48, v50;
	_ =	sdelay $0x1  }
0xfe: {  	s0 =	sor.u32 s25, s29  }
0xff: {  	s0 =	sor.u32 $0x380, s0  }
0x100: {  	[tilespmem:s0+$0x17400] =	vst v47  }
0x101: {  	v47 =	vld.idx.msk [tilespmem:v48+s13+$0x0], $0xffff  }
0x102: {  	v44 =	vand.u32 $0x7F, v44  }
0x103: {  	v44 =	vor.u32 v44, v46;
	_ =	sdelay $0x3  }
0x104: {  	[tilespmem:s26+$0x17C00] =	vst v47  }
0x105: {  	v44 =	vld.idx.msk [tilespmem:v44+s13+$0x0], $0xffff  }
0x106: {  	v42 =	vand.u32 $0x7F, v42  }
0x107: {  	v42 =	vor.u32 v42, v45;
	_ =	sdelay $0x3  }
0x108: {  	[tilespmem:s26+$0x17C80] =	vst v44  }
0x109: {  	v42 =	vld.idx.msk [tilespmem:v42+s13+$0x0], $0xffff  }
0x10a: {  	v41 =	vand.u32 $0x7F, v41  }
0x10b: {  	v41 =	vor.u32 v41, v43;
	_ =	sdelay $0x3  }
0x10c: {  	[tilespmem:s26+$0x17D00] =	vst v42  }
0x10d: {  	v41 =	vld.idx.msk [tilespmem:v41+s13+$0x0], $0xffff  }
0x10e: {  	v38 =	vand.u32 $0x7F, v38  }
0x10f: {  	v38 =	vor.u32 v38, v40;
	_ =	sdelay $0x3  }
0x110: {  	[tilespmem:s26+$0x17D80] =	vst v41  }
0x111: {  	v38 =	vld.idx.msk [tilespmem:v38+s13+$0x0], $0xffff  }
0x112: {  	v36 =	vand.u32 $0x7F, v36  }
0x113: {  	v36 =	vor.u32 v36, v39;
	_ =	sdelay $0x3  }
0x114: {  	[tilespmem:s26+$0x17E00] =	vst v38  }
0x115: {  	v36 =	vld.idx.msk [tilespmem:v36+s13+$0x0], $0xffff  }
0x116: {  	v35 =	vand.u32 $0x7F, v35  }
0x117: {  	v35 =	vor.u32 v35, v37;
	_ =	sdelay $0x3  }
0x118: {  	[tilespmem:s26+$0x17E80] =	vst v36  }
0x119: {  	v35 =	vld.idx.msk [tilespmem:v35+s13+$0x0], $0xffff  }
0x11a: {  	v33 =	vand.u32 $0x7F, v33  }
0x11b: {  	v33 =	vor.u32 v33, v34;
	_ =	sdelay $0x3  }
0x11c: {  	[tilespmem:s26+$0x17F00] =	vst v35  }
0x11d: {  	v33 =	vld.idx.msk [tilespmem:v33+s13+$0x0], $0xffff  }
0x11e: {  	v31 =	vand.u32 $0x7F, v31  }
0x11f: {  	v31 =	vor.u32 v31, v32;
	_ =	sdelay $0x3  }
0x120: {  	[tilespmem:s26+$0x17F80] =	vst v33  }
0x121: {  	v31 =	vld.idx.msk [tilespmem:v31+s13+$0x0], $0xffff  }
0x122: {  	v28 =	vand.u32 $0x7F, v28  }
0x123: {  	v28 =	vor.u32 v28, v30;
	_ =	sdelay $0x3  }
0x124: {  	[tilespmem:s26+$0x18400] =	vst v31  }
0x125: {  	v28 =	vld.idx.msk [tilespmem:v28+s13+$0x0], $0xffff  }
0x126: {  	v26 =	vand.u32 $0x7F, v26  }
0x127: {  	v26 =	vor.u32 v26, v29;
	_ =	sdelay $0x3  }
0x128: {  	[tilespmem:s26+$0x18480] =	vst v28  }
0x129: {  	v26 =	vld.idx.msk [tilespmem:v26+s13+$0x0], $0xffff  }
0x12a: {  	v25 =	vand.u32 $0x7F, v25  }
0x12b: {  	v25 =	vor.u32 v25, v27;
	_ =	sdelay $0x3  }
0x12c: {  	[tilespmem:s26+$0x18500] =	vst v26  }
0x12d: {  	v25 =	vld.idx.msk [tilespmem:v25+s13+$0x0], $0xffff  }
0x12e: {  	v22 =	vand.u32 $0x7F, v22  }
0x12f: {  	v22 =	vor.u32 v22, v24;
	_ =	sdelay $0x3  }
0x130: {  	[tilespmem:s26+$0x18580] =	vst v25  }
0x131: {  	v22 =	vld.idx.msk [tilespmem:v22+s13+$0x0], $0xffff  }
0x132: {  	v21 =	vand.u32 $0x7F, v21  }
0x133: {  	v21 =	vor.u32 v21, v23;
	_ =	sdelay $0x3  }
0x134: {  	[tilespmem:s26+$0x18600] =	vst v22  }
0x135: {  	v21 =	vld.idx.msk [tilespmem:v21+s13+$0x0], $0xffff  }
0x136: {  	v19 =	vand.u32 $0x7F, v19  }
0x137: {  	v19 =	vor.u32 v19, v20;
	_ =	sdelay $0x3  }
0x138: {  	[tilespmem:s26+$0x18680] =	vst v21  }
0x139: {  	v19 =	vld.idx.msk [tilespmem:v19+s13+$0x0], $0xffff  }
0x13a: {  	v16 =	vand.u32 $0x7F, v16  }
0x13b: {  	v16 =	vor.u32 v16, v18;
	_ =	sdelay $0x3  }
0x13c: {  	[tilespmem:s26+$0x18700] =	vst v19  }
0x13d: {  	v16 =	vld.idx.msk [tilespmem:v16+s13+$0x0], $0xffff  }
0x13e: {  	v14 =	vand.u32 $0x7F, v14  }
0x13f: {  	v14 =	vor.u32 v14, v17;
	_ =	sdelay $0x3  }
0x140: {  	[tilespmem:s26+$0x18780] =	vst v16  }
0x141: {  	v14 =	vld.idx.msk [tilespmem:v14+s13+$0x0], $0xffff  }
0x142: {  	v13 =	vand.u32 $0x7F, v13  }
0x143: {  	v13 =	vor.u32 v13, v15;
	_ =	sdelay $0x3  }
0x144: {  	[tilespmem:s26+$0x18C00] =	vst v14  }
0x145: {  	v13 =	vld.idx.msk [tilespmem:v13+s13+$0x0], $0xffff  }
0x146: {  	v9 =	vand.u32 $0x7F, v9  }
0x147: {  	v9 =	vor.u32 v9, v12;
	_ =	sdelay $0x3  }
0x148: {  	[tilespmem:s26+$0x18C80] =	vst v13  }
0x149: {  	v9 =	vld.idx.msk [tilespmem:v9+s13+$0x0], $0xffff  }
0x14a: {  	v10 =	vand.u32 $0x7F, v10  }
0x14b: {  	v10 =	vor.u32 v10, v11;
	_ =	sdelay $0x3  }
0x14c: {  	[tilespmem:s26+$0x18D00] =	vst v9  }
0x14d: {  	v9 =	vld.idx.msk [tilespmem:v10+s13+$0x0], $0xffff  }
0x14e: {  	v7 =	vand.u32 $0x7F, v7  }
0x14f: {  	v7 =	vor.u32 v7, v8;
	_ =	sdelay $0x3  }
0x150: {  	[tilespmem:s26+$0x18D80] =	vst v9  }
0x151: {  	v7 =	vld.idx.msk [tilespmem:v7+s13+$0x0], $0xffff  }
0x152: {  	v4 =	vand.u32 $0x7F, v4  }
0x153: {  	v4 =	vor.u32 v4, v6;
	_ =	sdelay $0x3  }
0x154: {  	[tilespmem:s26+$0x18E00] =	vst v7  }
0x155: {  	v4 =	vld.idx.msk [tilespmem:v4+s13+$0x0], $0xffff  }
0x156: {  	v3 =	vand.u32 $0x7F, v3  }
0x157: {  	v3 =	vor.u32 v3, v5;
	_ =	sdelay $0x3  }
0x158: {  	[tilespmem:s26+$0x18E80] =	vst v4  }
0x159: {  	v3 =	vld.idx.msk [tilespmem:v3+s13+$0x0], $0xffff  }
0x15a: {  	v1 =	vand.u32 $0x7F, v1  }
0x15b: {  	v1 =	vor.u32 v1, v2  }
.Ltmp2:
0x15c: {  	(pc) =	sbr.rel @p0 .LBB2_7-.Ltmp2, $3  }
0x15d: {  	_ =	sdelay $0x1  }
0x15e: {  	[tilespmem:s26+$0x18F00] =	vst v3  }
0x15f: {  	v1 =	vld.idx.msk [tilespmem:v1+s13+$0x0], $0xffff  }
0x160: {  	_ =	sdelay $0x2  }
0x161: {  	s24 =	sshll.u32 s23, $0x10;
	p0 =	seq.s32 s23, $0x31  }
.Ltmp3:
0x162: {  	s0 =	sadd.s32 s24, s4;
	[tilespmem:s26+$0x18F80] =	vst v1;
	(pc) =	sbr.rel @p0 .LBB2_12-.Ltmp3, $4  }
0x163: {  	[hbm4b:s0+s17] =	stream.strided.scatter [tilespmem:s18], [sflag:$0x4], $0x2000, s9, s17, $0x38;
	[tilespmem:$0x19400] =	vst v63  }
0x164: {  	_ =	swait.ge [sflag:s19], $0x2000  }
0x165: {  	[sflag:s19] =	ssyncset.done $0x0  }
0x166: {  	[sflag:s19] =	ssyncadd.s32 $0xFFFFE000  }
0x167: {  	s0 =	sshll.u32 s23, $0x1  }
0x168: {  	s0 =	sadd.s32 $0x2, s0  }
0x169: {  	s2 =	sshll.u32 s0, $0x8;
	s0 =	sshll.u32 s0, $0x6  }
0x16a: {  	s8 =	simm.s32 $0x0;
	s2 =	sand.u32 $0xF000, s2;
	s0 =	sand.u32 $0x380, s0  }
0x16b: {  	s25 =	sor.u32 s0, s2;
	s2 =	sand.u32 $0x400, s8  }
0x16c: {  	s26 =	sand.u32 $0x70, s8;
	s0 =	sadd.s32 s2, s25  }
0x16d: {  	s0 =	sadd.s32 s26, s0  }
0x16e: {  	v1 =	vld [tilespmem:s0+$0x0];
	_ =	sdelay $0x3  }
0x16f: {  	s29 =	simm.s32 $0x7200;
	s28 =	simm.s32 $0x80;
	s31 =	simm.s32 $0x20  }
0x170: {  	s8 =	sand.u32 $0x400, s28;
	s2 =	simm.s32 $0x10;
	s26 =	simm.s32 $0x7000;
	v2 =	vshrl.u32 v1, $0x2;
	v1 =	vshll.u32 v1, $0x5  }
0x171: {  	s30 =	simm.s32 $0x7210;
	s0 =	sand.u32 $0x70, s2;
	s2 =	sadd.s32 s8, s25;
	[tilespmem:s26+$0x0] =	vst v2;
	v1 =	vand.u32 $0x60, v1  }
.LBB2_10:
0x172: {  	s0 =	sadd.s32 s0, s2;
	s26 =	sadd.s32 $0x10, s26  }
0x173: {  	[tilespmem:s29+$0x0] =	vst v1;
	s2 =	smov.u32 s31;
	s8 =	sadd.s32 $0x10, s31;
	s29 =	smov.u32 s30  }
0x174: {  	p0 =	sne.s32 s31, $0xF0;
	v1 =	vld [tilespmem:s0+$0x0];
	_ =	sdelay $0x1  }
.Ltmp4:
0x175: {  	(pc) =	sbr.rel @p0 .LBB2_10-.Ltmp4, $4  }
0x176: {  	_ = 	snop  }
0x177: {  	s28 =	sadd.s32 $0x80, s28  }
0x178: {  	s30 =	sadd.s32 $0x10, s30;
	s31 =	sand.u32 $0x400, s28;
	v2 =	vshrl.u32 v1, $0x2;
	v1 =	vshll.u32 v1, $0x5  }
0x179: {  	s0 =	sand.u32 $0x70, s2;
	s2 =	sadd.s32 s31, s25;
	s31 =	smov.u32 s8;
	[tilespmem:s26+$0x0] =	vst v2;
	v1 =	vand.u32 $0x60, v1  }
0x17a: {  	s0 =	sadd.s32 s0, s2;
	[tilespmem:s29+$0x0] =	vst v1  }
0x17b: {  	v1 =	vld [tilespmem:s0+$0x0];
	_ =	sdelay $0x4  }
0x17c: {  	s31 =	sadd.s32 $0x10, s26;
	v2 =	vshrl.u32 v1, $0x2;
	v1 =	vshll.u32 v1, $0x5  }
0x17d: {  	[tilespmem:s31+$0x0] =	vst v2;
	v1 =	vand.u32 $0x60, v1  }
0x17e: {  	[tilespmem:s30+$0x0] =	vst v1  }
0x17f: {  	[tilespmem:s13], [sflag:$0x1] =	stream.indirect.gather [hbm4b:s1+s11], $0x80, s12, s11, $0xb8;
	[tilespmem:$0x19400] =	vst v63  }
.LBB2_12:
0x180: {  	_ =	swait.ge [sflag:s20], $0x8000  }
0x181: {  	[sflag:s20] =	ssyncset.done $0x0  }
0x182: {  	s25 =	simm.s32 $0x7300;
	[sflag:s20] =	ssyncadd.s32 $0xFFFF8000  }
0x183: {  	v1 =	vld [tilespmem:s25+$0x0];
	_ =	sdelay $0x1  }
0x184: {  	s26 =	simm.s32 $0x0  }
0x185: {  	v2 =	vmov s26  }
0x186: {  	v2 =	vshll.u32 v2, $0x7  }
0x187: {  	v2 =	vor.u32 v0, v2;
	v3 =	vand.u32 $0xFFFFFF80, v1  }
0x188: {  	v4 =	vand.u32 $0x7F, v1;
	v3 =	vadd.s32 v2, v3  }
0x189: {  	v3 =	vor.u32 v4, v3;
	_ =	sdelay $0x2  }
0x18a: {  	v46 =	vadd.s32 $0x1, v1  }
0x18b: {  	v5 =	vand.u32 $0xFFFFFF80, v46  }
0x18c: {  	v5 =	vadd.s32 v2, v5;
	v4 =	vand.u32 $0x7F, v46;
	v3 =	vld.idx.msk [tilespmem:v3+s15+$0x0], $0xffff  }
0x18d: {  	v4 =	vor.u32 v4, v5;
	_ =	sdelay $0x1  }
0x18e: {  	s0 =	sand.u32 $0x70, s26;
	s2 =	sand.u32 $0x400, s26  }
0x18f: {  	s28 =	sor.u32 s0, s2;
	v47 =	vadd.s32 $0x2, v1  }
0x190: {  	v6 =	vand.u32 $0xFFFFFF80, v47;
	[tilespmem:s28+$0x17400] =	vst v3  }
0x191: {  	v5 =	vand.u32 $0x7F, v47;
	v3 =	vadd.s32 v2, v6;
	v4 =	vld.idx.msk [tilespmem:v4+s15+$0x0], $0xffff  }
0x192: {  	v3 =	vor.u32 v5, v3;
	_ =	sdelay $0x2  }
0x193: {  	s0 =	sadd.s32 $0x17400, s28;
	v48 =	vadd.s32 $0x3, v1  }
0x194: {  	v49 =	vand.u32 $0xFFFFFF80, v48;
	[tilespmem:s0+$0x80] =	vst v4  }
0x195: {  	v50 =	vadd.s32 v2, v49;
	v5 =	vand.u32 $0x7F, v48;
	v3 =	vld.idx.msk [tilespmem:v3+s15+$0x0], $0xffff  }
0x196: {  	v4 =	vor.u32 v5, v50;
	_ =	sdelay $0x2  }
0x197: {  	v51 =	vadd.s32 $0x4, v1  }
0x198: {  	v52 =	vand.u32 $0xFFFFFF80, v51;
	[tilespmem:s0+$0x100] =	vst v3  }
0x199: {  	v5 =	vand.u32 $0x7F, v51;
	v3 =	vadd.s32 v2, v52;
	v4 =	vld.idx.msk [tilespmem:v4+s15+$0x0], $0xffff  }
0x19a: {  	v3 =	vor.u32 v5, v3;
	_ =	sdelay $0x2  }
0x19b: {  	v53 =	vadd.s32 $0x5, v1  }
0x19c: {  	v54 =	vand.u32 $0xFFFFFF80, v53;
	[tilespmem:s0+$0x180] =	vst v4  }
0x19d: {  	v55 =	vadd.s32 v2, v54;
	v5 =	vand.u32 $0x7F, v53;
	v3 =	vld.idx.msk [tilespmem:v3+s15+$0x0], $0xffff  }
0x19e: {  	v4 =	vor.u32 v5, v55;
	_ =	sdelay $0x2  }
0x19f: {  	v56 =	vadd.s32 $0x6, v1  }
0x1a0: {  	v57 =	vand.u32 $0xFFFFFF80, v56;
	[tilespmem:s0+$0x200] =	vst v3  }
0x1a1: {  	v5 =	vand.u32 $0x7F, v56;
	v3 =	vadd.s32 v2, v57;
	v4 =	vld.idx.msk [tilespmem:v4+s15+$0x0], $0xffff  }
0x1a2: {  	v3 =	vor.u32 v5, v3;
	_ =	sdelay $0x2  }
0x1a3: {  	v58 =	vadd.s32 $0x7, v1  }
0x1a4: {  	v59 =	vand.u32 $0xFFFFFF80, v58;
	[tilespmem:s0+$0x280] =	vst v4  }
0x1a5: {  	v60 =	vadd.s32 v2, v59;
	v5 =	vand.u32 $0x7F, v58;
	v3 =	vld.idx.msk [tilespmem:v3+s15+$0x0], $0xffff  }
0x1a6: {  	v4 =	vor.u32 v5, v60;
	_ =	sdelay $0x2  }
0x1a7: {  	v61 =	vadd.s32 $0x8, v1  }
0x1a8: {  	v62 =	vand.u32 $0xFFFFFF80, v61;
	[tilespmem:s0+$0x300] =	vst v3  }
0x1a9: {  	v5 =	vand.u32 $0x7F, v61;
	v3 =	vadd.s32 v2, v62;
	v4 =	vld.idx.msk [tilespmem:v4+s15+$0x0], $0xffff  }
0x1aa: {  	v3 =	vor.u32 v5, v3;
	_ =	sdelay $0x1  }
0x1ab: {  	s31 =	sor.u32 s26, s26  }
0x1ac: {  	v63 =	vadd.s32 $0x9, v1;
	s0 =	sor.u32 $0x380, s31  }
0x1ad: {  	v9 =	vand.u32 $0xFFFFFF80, v63;
	[tilespmem:s0+$0x17400] =	vst v4  }
0x1ae: {  	v10 =	vadd.s32 v2, v9;
	v5 =	vand.u32 $0x7F, v63;
	v3 =	vld.idx.msk [tilespmem:v3+s15+$0x0], $0xffff  }
0x1af: {  	v4 =	vor.u32 v5, v10;
	_ =	sdelay $0x2  }
0x1b0: {  	v11 =	vadd.s32 $0xA, v1  }
0x1b1: {  	v12 =	vand.u32 $0xFFFFFF80, v11;
	[tilespmem:s28+$0x17C00] =	vst v3  }
0x1b2: {  	v5 =	vand.u32 $0x7F, v11;
	v3 =	vadd.s32 v2, v12;
	v4 =	vld.idx.msk [tilespmem:v4+s15+$0x0], $0xffff  }
0x1b3: {  	v3 =	vor.u32 v5, v3;
	_ =	sdelay $0x2  }
0x1b4: {  	v13 =	vadd.s32 $0xB, v1  }
0x1b5: {  	v14 =	vand.u32 $0xFFFFFF80, v13;
	[tilespmem:s28+$0x17C80] =	vst v4  }
0x1b6: {  	v15 =	vadd.s32 v2, v14;
	v5 =	vand.u32 $0x7F, v13;
	v3 =	vld.idx.msk [tilespmem:v3+s15+$0x0], $0xffff  }
0x1b7: {  	v4 =	vor.u32 v5, v15;
	_ =	sdelay $0x2  }
0x1b8: {  	v16 =	vadd.s32 $0xC, v1  }
0x1b9: {  	v17 =	vand.u32 $0xFFFFFF80, v16;
	[tilespmem:s28+$0x17D00] =	vst v3  }
0x1ba: {  	v5 =	vand.u32 $0x7F, v16;
	v3 =	vadd.s32 v2, v17;
	v4 =	vld.idx.msk [tilespmem:v4+s15+$0x0], $0xffff  }
0x1bb: {  	v3 =	vor.u32 v5, v3;
	_ =	sdelay $0x2  }
0x1bc: {  	v18 =	vadd.s32 $0xD, v1  }
0x1bd: {  	v19 =	vand.u32 $0xFFFFFF80, v18;
	[tilespmem:s28+$0x17D80] =	vst v4  }
0x1be: {  	v20 =	vadd.s32 v2, v19;
	v5 =	vand.u32 $0x7F, v18;
	v3 =	vld.idx.msk [tilespmem:v3+s15+$0x0], $0xffff  }
0x1bf: {  	v4 =	vor.u32 v5, v20;
	_ =	sdelay $0x2  }
0x1c0: {  	v21 =	vadd.s32 $0xE, v1  }
0x1c1: {  	v22 =	vand.u32 $0xFFFFFF80, v21;
	[tilespmem:s28+$0x17E00] =	vst v3  }
0x1c2: {  	v5 =	vand.u32 $0x7F, v21;
	v3 =	vadd.s32 v2, v22;
	v4 =	vld.idx.msk [tilespmem:v4+s15+$0x0], $0xffff  }
0x1c3: {  	v3 =	vor.u32 v5, v3;
	_ =	sdelay $0x2  }
0x1c4: {  	v23 =	vadd.s32 $0xF, v1  }
0x1c5: {  	v24 =	vand.u32 $0xFFFFFF80, v23;
	[tilespmem:s28+$0x17E80] =	vst v4  }
0x1c6: {  	v25 =	vadd.s32 v2, v24;
	v5 =	vand.u32 $0x7F, v23;
	v3 =	vld.idx.msk [tilespmem:v3+s15+$0x0], $0xffff  }
0x1c7: {  	v4 =	vor.u32 v5, v25;
	_ =	sdelay $0x2  }
0x1c8: {  	v26 =	vadd.s32 $0x10, v1  }
0x1c9: {  	v27 =	vand.u32 $0xFFFFFF80, v26;
	[tilespmem:s28+$0x17F00] =	vst v3  }
0x1ca: {  	v5 =	vand.u32 $0x7F, v26;
	v3 =	vadd.s32 v2, v27;
	v4 =	vld.idx.msk [tilespmem:v4+s15+$0x0], $0xffff  }
0x1cb: {  	v3 =	vor.u32 v5, v3;
	_ =	sdelay $0x2  }
0x1cc: {  	v28 =	vadd.s32 $0x11, v1  }
0x1cd: {  	v29 =	vand.u32 $0xFFFFFF80, v28;
	[tilespmem:s28+$0x17F80] =	vst v4  }
0x1ce: {  	v30 =	vadd.s32 v2, v29;
	v5 =	vand.u32 $0x7F, v28;
	v3 =	vld.idx.msk [tilespmem:v3+s15+$0x0], $0xffff  }
0x1cf: {  	v4 =	vor.u32 v5, v30;
	_ =	sdelay $0x2  }
0x1d0: {  	v31 =	vadd.s32 $0x12, v1  }
0x1d1: {  	v32 =	vand.u32 $0xFFFFFF80, v31;
	[tilespmem:s28+$0x18400] =	vst v3  }
0x1d2: {  	v5 =	vand.u32 $0x7F, v31;
	v3 =	vadd.s32 v2, v32;
	v4 =	vld.idx.msk [tilespmem:v4+s15+$0x0], $0xffff  }
0x1d3: {  	v3 =	vor.u32 v5, v3;
	_ =	sdelay $0x2  }
0x1d4: {  	v33 =	vadd.s32 $0x13, v1  }
0x1d5: {  	v34 =	vand.u32 $0xFFFFFF80, v33;
	[tilespmem:s28+$0x18480] =	vst v4  }
0x1d6: {  	v35 =	vadd.s32 v2, v34;
	v5 =	vand.u32 $0x7F, v33;
	v3 =	vld.idx.msk [tilespmem:v3+s15+$0x0], $0xffff  }
0x1d7: {  	v4 =	vor.u32 v5, v35;
	_ =	sdelay $0x2  }
0x1d8: {  	v36 =	vadd.s32 $0x14, v1  }
0x1d9: {  	v37 =	vand.u32 $0xFFFFFF80, v36;
	[tilespmem:s28+$0x18500] =	vst v3  }
0x1da: {  	v5 =	vand.u32 $0x7F, v36;
	v3 =	vadd.s32 v2, v37;
	v4 =	vld.idx.msk [tilespmem:v4+s15+$0x0], $0xffff  }
0x1db: {  	v3 =	vor.u32 v5, v3;
	_ =	sdelay $0x2  }
0x1dc: {  	v38 =	vadd.s32 $0x15, v1  }
0x1dd: {  	v39 =	vand.u32 $0xFFFFFF80, v38;
	[tilespmem:s28+$0x18580] =	vst v4  }
0x1de: {  	v40 =	vadd.s32 v2, v39;
	v5 =	vand.u32 $0x7F, v38;
	v3 =	vld.idx.msk [tilespmem:v3+s15+$0x0], $0xffff  }
0x1df: {  	v4 =	vor.u32 v5, v40;
	_ =	sdelay $0x2  }
0x1e0: {  	v41 =	vadd.s32 $0x16, v1  }
0x1e1: {  	v42 =	vand.u32 $0xFFFFFF80, v41;
	[tilespmem:s28+$0x18600] =	vst v3  }
0x1e2: {  	v5 =	vand.u32 $0x7F, v41;
	v3 =	vadd.s32 v2, v42;
	v4 =	vld.idx.msk [tilespmem:v4+s15+$0x0], $0xffff  }
0x1e3: {  	v3 =	vor.u32 v5, v3;
	_ =	sdelay $0x2  }
0x1e4: {  	v43 =	vadd.s32 $0x17, v1  }
0x1e5: {  	v44 =	vand.u32 $0xFFFFFF80, v43;
	[tilespmem:s28+$0x18680] =	vst v4  }
0x1e6: {  	v45 =	vadd.s32 v2, v44;
	v5 =	vand.u32 $0x7F, v43;
	v3 =	vld.idx.msk [tilespmem:v3+s15+$0x0], $0xffff  }
0x1e7: {  	v4 =	vor.u32 v5, v45;
	_ =	sdelay $0x2  }
0x1e8: {  	v46 =	vadd.s32 $0x18, v1  }
0x1e9: {  	v47 =	vand.u32 $0xFFFFFF80, v46;
	[tilespmem:s28+$0x18700] =	vst v3  }
0x1ea: {  	v5 =	vand.u32 $0x7F, v46;
	v3 =	vadd.s32 v2, v47;
	v4 =	vld.idx.msk [tilespmem:v4+s15+$0x0], $0xffff  }
0x1eb: {  	v3 =	vor.u32 v5, v3;
	_ =	sdelay $0x2  }
0x1ec: {  	v48 =	vadd.s32 $0x19, v1  }
0x1ed: {  	v49 =	vand.u32 $0xFFFFFF80, v48;
	[tilespmem:s28+$0x18780] =	vst v4  }
0x1ee: {  	v50 =	vadd.s32 v2, v49;
	v5 =	vand.u32 $0x7F, v48;
	v3 =	vld.idx.msk [tilespmem:v3+s15+$0x0], $0xffff  }
0x1ef: {  	v4 =	vor.u32 v5, v50;
	_ =	sdelay $0x2  }
0x1f0: {  	v51 =	vadd.s32 $0x1A, v1  }
0x1f1: {  	v52 =	vand.u32 $0xFFFFFF80, v51;
	[tilespmem:s28+$0x18C00] =	vst v3  }
0x1f2: {  	v5 =	vand.u32 $0x7F, v51;
	v3 =	vadd.s32 v2, v52;
	v4 =	vld.idx.msk [tilespmem:v4+s15+$0x0], $0xffff  }
0x1f3: {  	v3 =	vor.u32 v5, v3;
	_ =	sdelay $0x2  }
0x1f4: {  	v53 =	vadd.s32 $0x1B, v1  }
0x1f5: {  	v54 =	vand.u32 $0xFFFFFF80, v53;
	[tilespmem:s28+$0x18C80] =	vst v4  }
0x1f6: {  	v55 =	vadd.s32 v2, v54;
	v5 =	vand.u32 $0x7F, v53;
	v3 =	vld.idx.msk [tilespmem:v3+s15+$0x0], $0xffff  }
0x1f7: {  	v4 =	vor.u32 v5, v55;
	_ =	sdelay $0x2  }
0x1f8: {  	v56 =	vadd.s32 $0x1C, v1  }
0x1f9: {  	v57 =	vand.u32 $0xFFFFFF80, v56;
	[tilespmem:s28+$0x18D00] =	vst v3  }
0x1fa: {  	v5 =	vand.u32 $0x7F, v56;
	v3 =	vadd.s32 v2, v57;
	v4 =	vld.idx.msk [tilespmem:v4+s15+$0x0], $0xffff  }
0x1fb: {  	v3 =	vor.u32 v5, v3;
	_ =	sdelay $0x2  }
0x1fc: {  	v58 =	vadd.s32 $0x1D, v1  }
0x1fd: {  	v59 =	vand.u32 $0xFFFFFF80, v58;
	[tilespmem:s28+$0x18D80] =	vst v4  }
0x1fe: {  	v60 =	vadd.s32 v2, v59;
	v5 =	vand.u32 $0x7F, v58;
	v3 =	vld.idx.msk [tilespmem:v3+s15+$0x0], $0xffff  }
0x1ff: {  	v4 =	vor.u32 v5, v60;
	_ =	sdelay $0x2  }
0x200: {  	v61 =	vadd.s32 $0x1E, v1  }
0x201: {  	v62 =	vand.u32 $0xFFFFFF80, v61;
	[tilespmem:s28+$0x18E00] =	vst v3  }
0x202: {  	v5 =	vand.u32 $0x7F, v61;
	v3 =	vadd.s32 v2, v62;
	v4 =	vld.idx.msk [tilespmem:v4+s15+$0x0], $0xffff  }
0x203: {  	v3 =	vor.u32 v5, v3;
	_ =	sdelay $0x2  }
0x204: {  	v1 =	vadd.s32 $0x1F, v1  }
0x205: {  	v63 =	vand.u32 $0xFFFFFF80, v1;
	[tilespmem:s28+$0x18E80] =	vst v4  }
0x206: {  	v1 =	vand.u32 $0x7F, v1;
	v2 =	vadd.s32 v2, v63;
	v3 =	vld.idx.msk [tilespmem:v3+s15+$0x0], $0xffff  }
0x207: {  	v1 =	vor.u32 v1, v2;
	_ =	sdelay $0x3  }
0x208: {  	[tilespmem:s28+$0x18F00] =	vst v3  }
0x209: {  	s29 =	simm.s32 $0x10;
	v1 =	vld.idx.msk [tilespmem:v1+s15+$0x0], $0xffff  }
.LBB2_13:
0x20a: {  	_ =	sdelay $0x3  }
0x20b: {  	p0 =	sne.s32 s29, $0xF0;
	s26 =	sadd.s32 $0x80, s26;
	s25 =	sadd.s32 $0x10, s25;
	[tilespmem:s28+$0x18F80] =	vst v1  }
0x20c: {  	s30 =	smov.u32 s29;
	s29 =	sadd.s32 $0x10, s29;
	v1 =	vld [tilespmem:s25+$0x0];
	_ =	sdelay $0x2  }
0x20d: {  	v2 =	vmov s30  }
0x20e: {  	v2 =	vshll.u32 v2, $0x7  }
0x20f: {  	v2 =	vor.u32 v0, v2;
	v3 =	vand.u32 $0xFFFFFF80, v1;
	v4 =	vadd.s32 $0x1, v1  }
0x210: {  	v5 =	vand.u32 $0x7F, v1;
	v3 =	vadd.s32 v2, v3;
	v6 =	vand.u32 $0xFFFFFF80, v4  }
0x211: {  	v3 =	vor.u32 v5, v3;
	v5 =	vadd.s32 v2, v6;
	v6 =	vadd.s32 $0x2, v1  }
0x212: {  	v8 =	vadd.s32 $0x3, v1;
	v10 =	vadd.s32 $0x4, v1;
	v7 =	vand.u32 $0xFFFFFF80, v6  }
0x213: {  	v9 =	vand.u32 $0xFFFFFF80, v8;
	v11 =	vand.u32 $0xFFFFFF80, v10;
	v7 =	vadd.s32 v2, v7  }
0x214: {  	v53 =	vadd.s32 $0x5, v1;
	v9 =	vadd.s32 v2, v9;
	v11 =	vadd.s32 v2, v11  }
0x215: {  	v51 =	vadd.s32 $0x6, v1;
	v47 =	vadd.s32 $0x7, v1;
	v12 =	vand.u32 $0xFFFFFF80, v53  }
0x216: {  	v13 =	vand.u32 $0xFFFFFF80, v47;
	v54 =	vadd.s32 v2, v12;
	v12 =	vand.u32 $0xFFFFFF80, v51;
	v3 =	vld.idx.msk [tilespmem:v3+s15+$0x0], $0xffff  }
0x217: {  	v4 =	vand.u32 $0x7F, v4;
	v49 =	vadd.s32 v2, v13;
	v52 =	vadd.s32 v2, v12  }
0x218: {  	v48 =	vadd.s32 $0x8, v1;
	v44 =	vadd.s32 $0x9, v1;
	v4 =	vor.u32 v4, v5  }
0x219: {  	v42 =	vadd.s32 $0xA, v1;
	v5 =	vand.u32 $0xFFFFFF80, v48;
	v12 =	vand.u32 $0xFFFFFF80, v44  }
0x21a: {  	s0 =	sand.u32 $0x70, s30;
	s2 =	sand.u32 $0x400, s26;
	v50 =	vadd.s32 v2, v5;
	v46 =	vadd.s32 v2, v12;
	v5 =	vand.u32 $0xFFFFFF80, v42  }
0x21b: {  	s28 =	sor.u32 s0, s2;
	v41 =	vadd.s32 $0xB, v1;
	v38 =	vadd.s32 $0xC, v1;
	v45 =	vadd.s32 v2, v5  }
0x21c: {  	v36 =	vadd.s32 $0xD, v1;
	v5 =	vand.u32 $0xFFFFFF80, v38;
	[tilespmem:s28+$0x17400] =	vst v3;
	v3 =	vand.u32 $0xFFFFFF80, v41  }
0x21d: {  	v40 =	vadd.s32 v2, v5;
	v4 =	vld.idx.msk [tilespmem:v4+s15+$0x0], $0xffff;
	v43 =	vadd.s32 v2, v3;
	v3 =	vand.u32 $0xFFFFFF80, v36  }
0x21e: {  	v35 =	vadd.s32 $0xE, v1;
	v5 =	vand.u32 $0x7F, v6;
	v39 =	vadd.s32 v2, v3  }
0x21f: {  	v33 =	vadd.s32 $0xF, v1;
	v3 =	vor.u32 v5, v7;
	v5 =	vand.u32 $0xFFFFFF80, v35  }
0x220: {  	v31 =	vadd.s32 $0x10, v1;
	v37 =	vadd.s32 v2, v5;
	v5 =	vand.u32 $0xFFFFFF80, v33  }
0x221: {  	v28 =	vadd.s32 $0x11, v1;
	v34 =	vadd.s32 v2, v5;
	v5 =	vand.u32 $0xFFFFFF80, v31  }
0x222: {  	s31 =	sadd.s32 $0x17400, s28;
	v26 =	vadd.s32 $0x12, v1;
	v32 =	vadd.s32 v2, v5;
	v5 =	vand.u32 $0xFFFFFF80, v28  }
0x223: {  	v25 =	vadd.s32 $0x13, v1;
	v30 =	vadd.s32 v2, v5;
	[tilespmem:s31+$0x80] =	vst v4;
	v4 =	vand.u32 $0xFFFFFF80, v26  }
0x224: {  	v22 =	vadd.s32 $0x14, v1;
	v3 =	vld.idx.msk [tilespmem:v3+s15+$0x0], $0xffff;
	v29 =	vadd.s32 v2, v4;
	v4 =	vand.u32 $0xFFFFFF80, v25  }
0x225: {  	v5 =	vand.u32 $0x7F, v8;
	v27 =	vadd.s32 v2, v4;
	v4 =	vand.u32 $0xFFFFFF80, v22  }
0x226: {  	v21 =	vadd.s32 $0x15, v1;
	v5 =	vor.u32 v5, v9;
	v24 =	vadd.s32 v2, v4  }
0x227: {  	v19 =	vadd.s32 $0x16, v1;
	v16 =	vadd.s32 $0x17, v1;
	v4 =	vand.u32 $0xFFFFFF80, v21  }
0x228: {  	v6 =	vand.u32 $0xFFFFFF80, v16;
	v23 =	vadd.s32 v2, v4;
	v4 =	vand.u32 $0xFFFFFF80, v19  }
0x229: {  	v14 =	vadd.s32 $0x18, v1;
	v18 =	vadd.s32 v2, v6;
	v20 =	vadd.s32 v2, v4  }
0x22a: {  	v13 =	vadd.s32 $0x19, v1;
	v9 =	vadd.s32 $0x1A, v1;
	[tilespmem:s31+$0x100] =	vst v3;
	v3 =	vand.u32 $0xFFFFFF80, v14  }
0x22b: {  	v4 =	vand.u32 $0xFFFFFF80, v9;
	v5 =	vld.idx.msk [tilespmem:v5+s15+$0x0], $0xffff;
	v17 =	vadd.s32 v2, v3;
	v3 =	vand.u32 $0xFFFFFF80, v13  }
0x22c: {  	v6 =	vand.u32 $0x7F, v10;
	v12 =	vadd.s32 v2, v4;
	v15 =	vadd.s32 v2, v3  }
0x22d: {  	v10 =	vadd.s32 $0x1B, v1;
	v55 =	vor.u32 v6, v11;
	v7 =	vadd.s32 $0x1C, v1  }
0x22e: {  	v6 =	vand.u32 $0xFFFFFF80, v7;
	v4 =	vadd.s32 $0x1D, v1;
	v3 =	vand.u32 $0xFFFFFF80, v10  }
0x22f: {  	v8 =	vadd.s32 v2, v6;
	v11 =	vadd.s32 v2, v3;
	v3 =	vand.u32 $0xFFFFFF80, v4  }
0x230: {  	v6 =	vadd.s32 v2, v3;
	v3 =	vadd.s32 $0x1E, v1;
	v1 =	vadd.s32 $0x1F, v1  }
0x231: {  	v56 =	vand.u32 $0xFFFFFF80, v1;
	[tilespmem:s31+$0x180] =	vst v5;
	v5 =	vand.u32 $0xFFFFFF80, v3  }
0x232: {  	v55 =	vld.idx.msk [tilespmem:v55+s15+$0x0], $0xffff;
	v5 =	vadd.s32 v2, v5;
	v2 =	vadd.s32 v2, v56  }
0x233: {  	v53 =	vand.u32 $0x7F, v53  }
0x234: {  	v53 =	vor.u32 v53, v54;
	_ =	sdelay $0x3  }
0x235: {  	[tilespmem:s31+$0x200] =	vst v55  }
0x236: {  	v53 =	vld.idx.msk [tilespmem:v53+s15+$0x0], $0xffff  }
0x237: {  	v51 =	vand.u32 $0x7F, v51  }
0x238: {  	v51 =	vor.u32 v51, v52;
	_ =	sdelay $0x3  }
0x239: {  	[tilespmem:s31+$0x280] =	vst v53  }
0x23a: {  	v51 =	vld.idx.msk [tilespmem:v51+s15+$0x0], $0xffff  }
0x23b: {  	v47 =	vand.u32 $0x7F, v47  }
0x23c: {  	v47 =	vor.u32 v47, v49;
	_ =	sdelay $0x3  }
0x23d: {  	[tilespmem:s31+$0x300] =	vst v51  }
0x23e: {  	v47 =	vld.idx.msk [tilespmem:v47+s15+$0x0], $0xffff  }
0x23f: {  	v48 =	vand.u32 $0x7F, v48  }
0x240: {  	v48 =	vor.u32 v48, v50;
	_ =	sdelay $0x1  }
0x241: {  	s0 =	sor.u32 s26, s30  }
0x242: {  	s0 =	sor.u32 $0x380, s0  }
0x243: {  	[tilespmem:s0+$0x17400] =	vst v47  }
0x244: {  	v47 =	vld.idx.msk [tilespmem:v48+s15+$0x0], $0xffff  }
0x245: {  	v44 =	vand.u32 $0x7F, v44  }
0x246: {  	v44 =	vor.u32 v44, v46;
	_ =	sdelay $0x3  }
0x247: {  	[tilespmem:s28+$0x17C00] =	vst v47  }
0x248: {  	v44 =	vld.idx.msk [tilespmem:v44+s15+$0x0], $0xffff  }
0x249: {  	v42 =	vand.u32 $0x7F, v42  }
0x24a: {  	v42 =	vor.u32 v42, v45;
	_ =	sdelay $0x3  }
0x24b: {  	[tilespmem:s28+$0x17C80] =	vst v44  }
0x24c: {  	v42 =	vld.idx.msk [tilespmem:v42+s15+$0x0], $0xffff  }
0x24d: {  	v41 =	vand.u32 $0x7F, v41  }
0x24e: {  	v41 =	vor.u32 v41, v43;
	_ =	sdelay $0x3  }
0x24f: {  	[tilespmem:s28+$0x17D00] =	vst v42  }
0x250: {  	v41 =	vld.idx.msk [tilespmem:v41+s15+$0x0], $0xffff  }
0x251: {  	v38 =	vand.u32 $0x7F, v38  }
0x252: {  	v38 =	vor.u32 v38, v40;
	_ =	sdelay $0x3  }
0x253: {  	[tilespmem:s28+$0x17D80] =	vst v41  }
0x254: {  	v38 =	vld.idx.msk [tilespmem:v38+s15+$0x0], $0xffff  }
0x255: {  	v36 =	vand.u32 $0x7F, v36  }
0x256: {  	v36 =	vor.u32 v36, v39;
	_ =	sdelay $0x3  }
0x257: {  	[tilespmem:s28+$0x17E00] =	vst v38  }
0x258: {  	v36 =	vld.idx.msk [tilespmem:v36+s15+$0x0], $0xffff  }
0x259: {  	v35 =	vand.u32 $0x7F, v35  }
0x25a: {  	v35 =	vor.u32 v35, v37;
	_ =	sdelay $0x3  }
0x25b: {  	[tilespmem:s28+$0x17E80] =	vst v36  }
0x25c: {  	v35 =	vld.idx.msk [tilespmem:v35+s15+$0x0], $0xffff  }
0x25d: {  	v33 =	vand.u32 $0x7F, v33  }
0x25e: {  	v33 =	vor.u32 v33, v34;
	_ =	sdelay $0x3  }
0x25f: {  	[tilespmem:s28+$0x17F00] =	vst v35  }
0x260: {  	v33 =	vld.idx.msk [tilespmem:v33+s15+$0x0], $0xffff  }
0x261: {  	v31 =	vand.u32 $0x7F, v31  }
0x262: {  	v31 =	vor.u32 v31, v32;
	_ =	sdelay $0x3  }
0x263: {  	[tilespmem:s28+$0x17F80] =	vst v33  }
0x264: {  	v31 =	vld.idx.msk [tilespmem:v31+s15+$0x0], $0xffff  }
0x265: {  	v28 =	vand.u32 $0x7F, v28  }
0x266: {  	v28 =	vor.u32 v28, v30;
	_ =	sdelay $0x3  }
0x267: {  	[tilespmem:s28+$0x18400] =	vst v31  }
0x268: {  	v28 =	vld.idx.msk [tilespmem:v28+s15+$0x0], $0xffff  }
0x269: {  	v26 =	vand.u32 $0x7F, v26  }
0x26a: {  	v26 =	vor.u32 v26, v29;
	_ =	sdelay $0x3  }
0x26b: {  	[tilespmem:s28+$0x18480] =	vst v28  }
0x26c: {  	v26 =	vld.idx.msk [tilespmem:v26+s15+$0x0], $0xffff  }
0x26d: {  	v25 =	vand.u32 $0x7F, v25  }
0x26e: {  	v25 =	vor.u32 v25, v27;
	_ =	sdelay $0x3  }
0x26f: {  	[tilespmem:s28+$0x18500] =	vst v26  }
0x270: {  	v25 =	vld.idx.msk [tilespmem:v25+s15+$0x0], $0xffff  }
0x271: {  	v22 =	vand.u32 $0x7F, v22  }
0x272: {  	v22 =	vor.u32 v22, v24;
	_ =	sdelay $0x3  }
0x273: {  	[tilespmem:s28+$0x18580] =	vst v25  }
0x274: {  	v22 =	vld.idx.msk [tilespmem:v22+s15+$0x0], $0xffff  }
0x275: {  	v21 =	vand.u32 $0x7F, v21  }
0x276: {  	v21 =	vor.u32 v21, v23;
	_ =	sdelay $0x3  }
0x277: {  	[tilespmem:s28+$0x18600] =	vst v22  }
0x278: {  	v21 =	vld.idx.msk [tilespmem:v21+s15+$0x0], $0xffff  }
0x279: {  	v19 =	vand.u32 $0x7F, v19  }
0x27a: {  	v19 =	vor.u32 v19, v20;
	_ =	sdelay $0x3  }
0x27b: {  	[tilespmem:s28+$0x18680] =	vst v21  }
0x27c: {  	v19 =	vld.idx.msk [tilespmem:v19+s15+$0x0], $0xffff  }
0x27d: {  	v16 =	vand.u32 $0x7F, v16  }
0x27e: {  	v16 =	vor.u32 v16, v18;
	_ =	sdelay $0x3  }
0x27f: {  	[tilespmem:s28+$0x18700] =	vst v19  }
0x280: {  	v16 =	vld.idx.msk [tilespmem:v16+s15+$0x0], $0xffff  }
0x281: {  	v14 =	vand.u32 $0x7F, v14  }
0x282: {  	v14 =	vor.u32 v14, v17;
	_ =	sdelay $0x3  }
0x283: {  	[tilespmem:s28+$0x18780] =	vst v16  }
0x284: {  	v14 =	vld.idx.msk [tilespmem:v14+s15+$0x0], $0xffff  }
0x285: {  	v13 =	vand.u32 $0x7F, v13  }
0x286: {  	v13 =	vor.u32 v13, v15;
	_ =	sdelay $0x3  }
0x287: {  	[tilespmem:s28+$0x18C00] =	vst v14  }
0x288: {  	v13 =	vld.idx.msk [tilespmem:v13+s15+$0x0], $0xffff  }
0x289: {  	v9 =	vand.u32 $0x7F, v9  }
0x28a: {  	v9 =	vor.u32 v9, v12;
	_ =	sdelay $0x3  }
0x28b: {  	[tilespmem:s28+$0x18C80] =	vst v13  }
0x28c: {  	v9 =	vld.idx.msk [tilespmem:v9+s15+$0x0], $0xffff  }
0x28d: {  	v10 =	vand.u32 $0x7F, v10  }
0x28e: {  	v10 =	vor.u32 v10, v11;
	_ =	sdelay $0x3  }
0x28f: {  	[tilespmem:s28+$0x18D00] =	vst v9  }
0x290: {  	v9 =	vld.idx.msk [tilespmem:v10+s15+$0x0], $0xffff  }
0x291: {  	v7 =	vand.u32 $0x7F, v7  }
0x292: {  	v7 =	vor.u32 v7, v8;
	_ =	sdelay $0x3  }
0x293: {  	[tilespmem:s28+$0x18D80] =	vst v9  }
0x294: {  	v7 =	vld.idx.msk [tilespmem:v7+s15+$0x0], $0xffff  }
0x295: {  	v4 =	vand.u32 $0x7F, v4  }
0x296: {  	v4 =	vor.u32 v4, v6;
	_ =	sdelay $0x3  }
0x297: {  	[tilespmem:s28+$0x18E00] =	vst v7  }
0x298: {  	v4 =	vld.idx.msk [tilespmem:v4+s15+$0x0], $0xffff  }
0x299: {  	v3 =	vand.u32 $0x7F, v3  }
0x29a: {  	v3 =	vor.u32 v3, v5;
	_ =	sdelay $0x3  }
0x29b: {  	[tilespmem:s28+$0x18E80] =	vst v4  }
0x29c: {  	v3 =	vld.idx.msk [tilespmem:v3+s15+$0x0], $0xffff  }
0x29d: {  	v1 =	vand.u32 $0x7F, v1  }
0x29e: {  	v1 =	vor.u32 v1, v2  }
.Ltmp5:
0x29f: {  	(pc) =	sbr.rel @p0 .LBB2_13-.Ltmp5, $3  }
0x2a0: {  	_ =	sdelay $0x1  }
0x2a1: {  	[tilespmem:s28+$0x18F00] =	vst v3  }
0x2a2: {  	v1 =	vld.idx.msk [tilespmem:v1+s15+$0x0], $0xffff  }
0x2a3: {  	_ =	sdelay $0x1  }
0x2a4: {  	s23 =	sadd.s32 $0x1, s23  }
0x2a5: {  	p0 =	sne.s32 s23, $0x32  }
.Ltmp6:
0x2a6: {  	s0 =	sadd.s32 s24, s6;
	[tilespmem:s28+$0x18F80] =	vst v1;
	(pc) =	sbr.rel @p0 .LBB2_4-.Ltmp6, $4  }
0x2a7: {  	[hbm4b:s0+s17] =	stream.strided.scatter [tilespmem:s18], [sflag:$0x3], $0x2000, s9, s17, $0x38;
	[tilespmem:$0x19400] =	vst v63  }
0x2a8: {  	_ =	swait.ge [sflag:s10], $0x2000  }
0x2a9: {  	[sflag:s10] =	ssyncset.done $0x0  }
0x2aa: {  	[sflag:s10] =	ssyncadd.s32 $0xFFFFE000  }
0x2ab: {  	s21 =	sadd.s32 $0x1, s21  }
0x2ac: {  	p0 =	sne.s32 s21, s7  }
.Ltmp7:
0x2ad: {  	_ = 	snop;
	(pc) =	sbr.rel @p0 .LBB2_1-.Ltmp7, $1  }
0x2ae: {  	_ =	sdelay $0x3  }
0x2af: {  	_ =	sfence.sel $0x180000  }
0x2b0: {  	[bflag:$0x0] =	sbarrier.arrive $0xFFFF  }
0x2b1: {  	_ =	strace $0x90000047  }
0x2b2: {  	s0 =	stileid.u32;
	[bflag:$0x2] =	sbarrier.arrive $0xFFFF  }
0x2b3: {  	p0 =	sne.s32 s0, $0x0;
	s0 =	rddreg [dreg:$0x3]  }
0x2b4: {  	s0 =	sadd.s32 @!p0 $0x100000, s0  }
0x2b5: {  	[sflag:s0] =	ssyncadd.tile.s32 @!p0 $0x1;
	_ =	shalt  }
.Lfunc_end2:
_tile_overlayer_lowered:
.L_overlay_start_2:
0x2b6: {  	(tag) =	ssettag $0x2  }
0x2b7: {  	s0 =	rddreg [dreg:$0x0];
	s2 =	stileid.u32  }
0x2b8: {  	s1 =	rddreg [dreg:$0x1];
	p0 =	sne.s32 s2, $0x0  }
0x2b9: {  	s3 =	rddreg [dreg:$0x2];
	[bflag:$0x3] =	sbarrier.arrive $0xFFFF;
	s2 =	simm.s32 @!p0 $0x1C03  }
0x2ba: {  	[timem:s3], [sflag:s2] =	dma.local @!p0 [hbm:s0], s1  }
0x2bb: {  	s0 =	simm.s32 @!p0 $0x3  }
0x2bc: {  	_ =	swait.ge @!p0 [sflag:s0], s1  }
0x2bd: {  	s1 =	ssub.s32 @!p0 $0x0, s1;
	[sflag:s0] =	ssyncset.done @!p0 $0x0  }
0x2be: {  	[sflag:s0] =	ssyncadd.s32 @!p0 s1  }
0x2bf: {  	[bflag:$0x3] =	sbarrier.arrive $0xFFFF  }
0x2c0: {  	_ =	shalt  }

</sc_bundles>
